<compile_context>
chip_gen: v7x
topology: tpu7x:2x2x1
jax: 0.10.2.dev20260603
libtpu: 0.0.44.dev20260713+nightly
codegen_flags: <defaults>
</compile_context>

<pallas_src>
import functools

import jax
import jax.numpy as jnp
from jax import lax
from jax.experimental import pallas as pl
from jax.experimental.pallas import tpu as pltpu
from jax.experimental.pallas import tpu_sc as plsc

VOCAB = 100000
EMB = 16
BATCH = 1024
KDIM = 24
VT = 512
NBLOCKS = 196
VLAST = VOCAB - VT * (NBLOCKS - 1)


_NC, _NS = 2, 16
_NW = _NC * _NS
_B_PER_W = BATCH // _NW


def _sc_gather_t(inputs, table_flat):
    mesh = plsc.VectorSubcoreMesh(core_axis_name="c", subcore_axis_name="s")

    @functools.partial(
        pl.kernel,
        mesh=mesh,
        out_type=jax.ShapeDtypeStruct((EMB, BATCH), jnp.float32),
        scratch_types=[
            pltpu.VMEM((_B_PER_W,), jnp.int32),
            pltpu.VMEM((EMB, _B_PER_W), jnp.int32),
            pltpu.VMEM((EMB, _B_PER_W), jnp.float32),
            pltpu.SemaphoreType.DMA,
        ],
        compiler_params=pltpu.CompilerParams(use_tc_tiling_on_sc=False),
    )
    def gather_kernel(idx_hbm, table_hbm, out_hbm, idx_v, fidx, vals, sem):
        wid = lax.axis_index("s") * _NC + lax.axis_index("c")
        base = wid * _B_PER_W
        pltpu.sync_copy(idx_hbm.at[pl.ds(base, _B_PER_W)], idx_v)
        for h in range(_B_PER_W // 16):
            chunk = idx_v[pl.ds(h * 16, 16)]
            for d in range(EMB):
                fidx[d, pl.ds(h * 16, 16)] = chunk + d * VOCAB
        copies = [
            pltpu.make_async_copy(table_hbm.at[fidx.at[d]], vals.at[d], sem)
            for d in range(EMB)
        ]
        for c in copies:
            c.start()
        for c in copies:
            c.wait()
        pltpu.sync_copy(vals, out_hbm.at[:, pl.ds(base, _B_PER_W)])

    return gather_kernel(inputs, table_flat)



_NBUF = 14
_NSTEPS = NBLOCKS // _NBUF
_WSTEP = VT * _NBUF


def _blk_copy(bufs, out_ref, sem, blk, j, rows=VT):
    return pltpu.make_async_copy(
        bufs[j].at[pl.ds(0, rows), :],
        out_ref.at[pl.ds(blk * VT, rows), :],
        sem.at[j],
    )


def _proj_body(emb_ref, wt_ref, b_ref, out_ref, *scratch):
    bufs = scratch[:_NBUF]
    embt = scratch[_NBUF]
    wtb = scratch[_NBUF + 1]
    sem = scratch[_NBUF + 2]
    i = pl.program_id(0)

    @pl.when(i == 0)
    def _prep():
        embt[0:EMB, :] = emb_ref[...]
        embt[EMB : EMB + 1, :] = jnp.ones((1, BATCH), jnp.float32)
        embt[EMB + 1 : KDIM, :] = jnp.zeros((KDIM - EMB - 1, BATCH), jnp.float32)
        wtb[EMB + 1 : KDIM, :] = jnp.zeros((KDIM - EMB - 1, VT), jnp.float32)

    for j in range(_NBUF):
        blk = i * _NBUF + j

        @pl.when(i > 0)
        def _wait_prev():
            prev = (i - 1) * _NBUF + j
            pltpu.make_async_copy(
                bufs[j], out_ref.at[pl.ds(prev * VT, VT), :], sem.at[j]
            ).wait()

        wtb[0:EMB, :] = wt_ref[:, pl.ds(j * VT, VT)]
        wtb[EMB : EMB + 1, :] = b_ref[:, pl.ds(j * VT, VT)]
        bufs[j][...] = lax.dot_general(
            wtb[...],
            embt[...],
            (((0,), (0,)), ((), ())),
            preferred_element_type=jnp.float32,
        )
        if j == _NBUF - 1:
            @pl.when(i < _NSTEPS - 1)
            def _full():
                _blk_copy(bufs, out_ref, sem, blk, j).start()

            @pl.when(i == _NSTEPS - 1)
            def _partial():
                _blk_copy(bufs, out_ref, sem, blk, j, VLAST).start()

        else:
            _blk_copy(bufs, out_ref, sem, blk, j).start()

    @pl.when(i == _NSTEPS - 1)
    def _drain():
        for j in range(_NBUF):
            blk = i * _NBUF + j
            rows = VLAST if j == _NBUF - 1 else VT
            _blk_copy(bufs, out_ref, sem, blk, j, rows).wait()


def _tc_project_t(emb, Wt, b2d):
    return pl.pallas_call(
        _proj_body,
        grid=(_NSTEPS,),
        in_specs=[
            pl.BlockSpec(memory_space=pltpu.VMEM),
            pl.BlockSpec((EMB, _WSTEP), lambda i: (0, i)),
            pl.BlockSpec((1, _WSTEP), lambda i: (0, i)),
        ],
        out_specs=pl.BlockSpec(memory_space=pl.ANY),
        out_shape=jax.ShapeDtypeStruct((VOCAB, BATCH), jnp.float32),
        scratch_shapes=[pltpu.VMEM((VT, BATCH), jnp.float32) for _ in range(_NBUF)]
        + [
            pltpu.VMEM((KDIM, BATCH), jnp.float32),
            pltpu.VMEM((KDIM, VT), jnp.float32),
            pltpu.SemaphoreType.DMA((_NBUF,)),
        ],
        compiler_params=pltpu.CompilerParams(
            dimension_semantics=("arbitrary",),
        ),
    )(emb, Wt, b2d)


@jax.jit
def kernel(inputs, embeddings, W, b):
    emb_t = _sc_gather_t(inputs, embeddings.T.reshape(-1))
    return _tc_project_t(emb_t, W.T, b.reshape(1, VOCAB)).T

# --- scband reference (transcript-rebuilt; emitter-appended) ---
"""Pipeline reference for scband-word2-vec-12034498363459 (READ-ONLY COPY).

The authoritative reference and input builder live on the scoring server;
editing this copy changes nothing except your own understanding.
"""

import jax, jax.numpy as jnp
import numpy as np

VOCAB = 100000
EMB = 16
BATCH = 1024

def setup_inputs(seed: int = 0) -> dict:
    key = jax.random.key(seed)
    k_idx, k_emb, k_w, k_b = jax.random.split(key, 4)
    inputs = jax.random.randint(k_idx, (BATCH,), 0, VOCAB, dtype=jnp.int64 if jax.config.jax_enable_x64 else jnp.int32).astype(jnp.int32)
    # learned params: embedding table (torch nn.Embedding default: N(0,1))
    embeddings = jax.random.normal(k_emb, (VOCAB, EMB), dtype=jnp.float32)
    # linear: torch default kaiming-uniform-ish; use uniform(-1/sqrt(in), 1/sqrt(in))
    bound = 1.0 / np.sqrt(EMB)
    W = jax.random.uniform(k_w, (VOCAB, EMB), dtype=jnp.float32, minval=-bound, maxval=bound)
    b = jax.random.uniform(k_b, (VOCAB,), dtype=jnp.float32, minval=-bound, maxval=bound)
    return {"inputs": inputs, "embeddings": embeddings, "W": W, "b": b}

def reference(inputs, embeddings, W, b):
    # embedding lookup (gather)
    emb = jnp.take(embeddings, inputs, axis=0)  # [B, EMB]
    # linear: logits over vocab
    logits = emb @ W.T + b  # [B, VOCAB]
    return logits

if __name__ == "__main__":
    import jax
    _d = setup_inputs()
    print(jax.jit(kernel)(*tuple(_d.values())))

</pallas_src>

<mosaic_0001>
#map = affine_map<(d0, d1) -> (0)>
#map1 = affine_map<(d0, d1) -> (0, 0)>
module attributes {stable_mosaic.version = 14 : i64} {
  func.func @gather_kernel(%arg0: i32, %arg1: i32, %arg2: memref<1024xi32, #tpu.memory_space<hbm>>, %arg3: memref<1600000xf32, #tpu.memory_space<hbm>>, %arg4: memref<16x1024xf32, #tpu.memory_space<hbm>>, %arg5: memref<32xi32, #tpu.memory_space<vmem>>, %arg6: memref<16x32xi32, #tpu.memory_space<vmem>>, %arg7: memref<16x32xf32, #tpu.memory_space<vmem>>, %arg8: memref<!tpu.dma_semaphore, #tpu.memory_space<semaphore_mem>>) attributes {dimension_semantics = [#tpu.dimension_semantics<core_parallel>, #tpu.dimension_semantics<subcore_parallel>], iteration_bounds = array<i64: 2, 16>, scalar_prefetch = 0 : i64, scratch_operands = 4 : i64, tpu.core_type = #tpu.core_type<sc_vector_subcore>, window_params = [{transform_indices = #map}, {transform_indices = #map}, {transform_indices = #map1}]} {
    %mul3A = arith.constant 2 : i32
    %mul3A_0 = arith.muli %arg1, %mul3A : i32
    %add3A = arith.addi %mul3A_0, %arg0 : i32
    %mul3A_1 = arith.constant 32 : i32
    %mul3A_2 = arith.muli %add3A, %mul3A_1 : i32
    "tpu.region"() ({
      %run_scoped3A = tpu.sem_alloc : memref<!tpu.dma_semaphore, #tpu.memory_space<semaphore_mem>>
      %dma_start3A_613 = tpu.memref_slice %arg2[%mul3A_2] : memref<1024xi32, #tpu.memory_space<hbm>> -> memref<32xi32, #tpu.memory_space<hbm>>
      %dma_start3A_614 = tpu.memref_slice %arg2[%mul3A_2] : memref<1024xi32, #tpu.memory_space<hbm>> -> memref<32xi32, #tpu.memory_space<hbm>>
      tpu.enqueue_dma source(%dma_start3A_614 : memref<32xi32, #tpu.memory_space<hbm>>) target(%arg5 : memref<32xi32, #tpu.memory_space<vmem>>) target_semaphore(%run_scoped3A : memref<!tpu.dma_semaphore, #tpu.memory_space<semaphore_mem>>)
      %dma_wait3A_615 = tpu.memref_slice %arg2[%mul3A_2] : memref<1024xi32, #tpu.memory_space<hbm>> -> memref<32xi32, #tpu.memory_space<hbm>>
      %dma_wait3A_616 = tpu.memref_slice %arg2[%mul3A_2] : memref<1024xi32, #tpu.memory_space<hbm>> -> memref<32xi32, #tpu.memory_space<hbm>>
      tpu.wait_dma2 semaphore(%run_scoped3A : memref<!tpu.dma_semaphore, #tpu.memory_space<semaphore_mem>>) src(%dma_wait3A_616 : memref<32xi32, #tpu.memory_space<hbm>>) dst(%arg5 : memref<32xi32, #tpu.memory_space<vmem>>)
      tpu.yield
    }) : () -> ()
    %get3A = arith.constant 0 : index
    %get3A_3 = tpu.vector_load %arg5[%get3A] {strides = array<i32>} : memref<32xi32, #tpu.memory_space<vmem>>, vector<16xi32>,
    %get3A_4 = vector.shape_cast %get3A_3 : vector<16xi32> to vector<16xi32>
    %add3A_5 = arith.constant 0 : i32
    %add3A_6 = vector.broadcast %add3A_5 : i32 to vector<16xi32>
    %add3A_7 = arith.addi %get3A_4, %add3A_6 : vector<16xi32>
    %swap3A = arith.constant 0 : i32
    %swap3A_8 = arith.index_cast %swap3A : i32 to index
    %swap3A_9 = arith.constant 0 : index
    %swap3A_10 = tpu.vector_load %arg6[%swap3A_8, %swap3A_9] {strides = array<i32>} : memref<16x32xi32, #tpu.memory_space<vmem>>, vector<1x16xi32>,
    %swap3A_11 = vector.shape_cast %swap3A_10 : vector<1x16xi32> to vector<16xi32>
    %swap3A_12 = vector.shape_cast %add3A_7 : vector<16xi32> to vector<1x16xi32>
    tpu.vector_store %arg6[%swap3A_8, %swap3A_9], %swap3A_12 {strides = array<i32>} : memref<16x32xi32, #tpu.memory_space<vmem>>, vector<1x16xi32>,
    %add3A_13 = arith.constant 100000 : i32
    %add3A_14 = vector.broadcast %add3A_13 : i32 to vector<16xi32>
    %add3A_15 = arith.addi %get3A_4, %add3A_14 : vector<16xi32>
    %swap3A_16 = arith.constant 1 : i32
    %swap3A_17 = arith.index_cast %swap3A_16 : i32 to index
    %swap3A_18 = arith.constant 0 : index
    %swap3A_19 = tpu.vector_load %arg6[%swap3A_17, %swap3A_18] {strides = array<i32>} : memref<16x32xi32, #tpu.memory_space<vmem>>, vector<1x16xi32>,
    %swap3A_20 = vector.shape_cast %swap3A_19 : vector<1x16xi32> to vector<16xi32>
    %swap3A_21 = vector.shape_cast %add3A_15 : vector<16xi32> to vector<1x16xi32>
    tpu.vector_store %arg6[%swap3A_17, %swap3A_18], %swap3A_21 {strides = array<i32>} : memref<16x32xi32, #tpu.memory_space<vmem>>, vector<1x16xi32>,
    %add3A_22 = arith.constant 200000 : i32
    %add3A_23 = vector.broadcast %add3A_22 : i32 to vector<16xi32>
    %add3A_24 = arith.addi %get3A_4, %add3A_23 : vector<16xi32>
    %swap3A_25 = arith.constant 2 : i32
    %swap3A_26 = arith.index_cast %swap3A_25 : i32 to index
    %swap3A_27 = arith.constant 0 : index
    %swap3A_28 = tpu.vector_load %arg6[%swap3A_26, %swap3A_27] {strides = array<i32>} : memref<16x32xi32, #tpu.memory_space<vmem>>, vector<1x16xi32>,
    %swap3A_29 = vector.shape_cast %swap3A_28 : vector<1x16xi32> to vector<16xi32>
    %swap3A_30 = vector.shape_cast %add3A_24 : vector<16xi32> to vector<1x16xi32>
    tpu.vector_store %arg6[%swap3A_26, %swap3A_27], %swap3A_30 {strides = array<i32>} : memref<16x32xi32, #tpu.memory_space<vmem>>, vector<1x16xi32>,
    %add3A_31 = arith.constant 300000 : i32
    %add3A_32 = vector.broadcast %add3A_31 : i32 to vector<16xi32>
    %add3A_33 = arith.addi %get3A_4, %add3A_32 : vector<16xi32>
    %swap3A_34 = arith.constant 3 : i32
    %swap3A_35 = arith.index_cast %swap3A_34 : i32 to index
    %swap3A_36 = arith.constant 0 : index
    %swap3A_37 = tpu.vector_load %arg6[%swap3A_35, %swap3A_36] {strides = array<i32>} : memref<16x32xi32, #tpu.memory_space<vmem>>, vector<1x16xi32>,
    %swap3A_38 = vector.shape_cast %swap3A_37 : vector<1x16xi32> to vector<16xi32>
    %swap3A_39 = vector.shape_cast %add3A_33 : vector<16xi32> to vector<1x16xi32>
    tpu.vector_store %arg6[%swap3A_35, %swap3A_36], %swap3A_39 {strides = array<i32>} : memref<16x32xi32, #tpu.memory_space<vmem>>, vector<1x16xi32>,
    %add3A_40 = arith.constant 400000 : i32
    %add3A_41 = vector.broadcast %add3A_40 : i32 to vector<16xi32>
    %add3A_42 = arith.addi %get3A_4, %add3A_41 : vector<16xi32>
    %swap3A_43 = arith.constant 4 : i32
    %swap3A_44 = arith.index_cast %swap3A_43 : i32 to index
    %swap3A_45 = arith.constant 0 : index
    %swap3A_46 = tpu.vector_load %arg6[%swap3A_44, %swap3A_45] {strides = array<i32>} : memref<16x32xi32, #tpu.memory_space<vmem>>, vector<1x16xi32>,
    %swap3A_47 = vector.shape_cast %swap3A_46 : vector<1x16xi32> to vector<16xi32>
    %swap3A_48 = vector.shape_cast %add3A_42 : vector<16xi32> to vector<1x16xi32>
    tpu.vector_store %arg6[%swap3A_44, %swap3A_45], %swap3A_48 {strides = array<i32>} : memref<16x32xi32, #tpu.memory_space<vmem>>, vector<1x16xi32>,
    %add3A_49 = arith.constant 500000 : i32
    %add3A_50 = vector.broadcast %add3A_49 : i32 to vector<16xi32>
    %add3A_51 = arith.addi %get3A_4, %add3A_50 : vector<16xi32>
    %swap3A_52 = arith.constant 5 : i32
    %swap3A_53 = arith.index_cast %swap3A_52 : i32 to index
    %swap3A_54 = arith.constant 0 : index
    %swap3A_55 = tpu.vector_load %arg6[%swap3A_53, %swap3A_54] {strides = array<i32>} : memref<16x32xi32, #tpu.memory_space<vmem>>, vector<1x16xi32>,
    %swap3A_56 = vector.shape_cast %swap3A_55 : vector<1x16xi32> to vector<16xi32>
    %swap3A_57 = vector.shape_cast %add3A_51 : vector<16xi32> to vector<1x16xi32>
    tpu.vector_store %arg6[%swap3A_53, %swap3A_54], %swap3A_57 {strides = array<i32>} : memref<16x32xi32, #tpu.memory_space<vmem>>, vector<1x16xi32>,
    %add3A_58 = arith.constant 600000 : i32
    %add3A_59 = vector.broadcast %add3A_58 : i32 to vector<16xi32>
    %add3A_60 = arith.addi %get3A_4, %add3A_59 : vector<16xi32>
    %swap3A_61 = arith.constant 6 : i32
    %swap3A_62 = arith.index_cast %swap3A_61 : i32 to index
    %swap3A_63 = arith.constant 0 : index
    %swap3A_64 = tpu.vector_load %arg6[%swap3A_62, %swap3A_63] {strides = array<i32>} : memref<16x32xi32, #tpu.memory_space<vmem>>, vector<1x16xi32>,
    %swap3A_65 = vector.shape_cast %swap3A_64 : vector<1x16xi32> to vector<16xi32>
    %swap3A_66 = vector.shape_cast %add3A_60 : vector<16xi32> to vector<1x16xi32>
    tpu.vector_store %arg6[%swap3A_62, %swap3A_63], %swap3A_66 {strides = array<i32>} : memref<16x32xi32, #tpu.memory_space<vmem>>, vector<1x16xi32>,
    %add3A_67 = arith.constant 700000 : i32
    %add3A_68 = vector.broadcast %add3A_67 : i32 to vector<16xi32>
    %add3A_69 = arith.addi %get3A_4, %add3A_68 : vector<16xi32>
    %swap3A_70 = arith.constant 7 : i32
    %swap3A_71 = arith.index_cast %swap3A_70 : i32 to index
    %swap3A_72 = arith.constant 0 : index
    %swap3A_73 = tpu.vector_load %arg6[%swap3A_71, %swap3A_72] {strides = array<i32>} : memref<16x32xi32, #tpu.memory_space<vmem>>, vector<1x16xi32>,
    %swap3A_74 = vector.shape_cast %swap3A_73 : vector<1x16xi32> to vector<16xi32>
    %swap3A_75 = vector.shape_cast %add3A_69 : vector<16xi32> to vector<1x16xi32>
    tpu.vector_store %arg6[%swap3A_71, %swap3A_72], %swap3A_75 {strides = array<i32>} : memref<16x32xi32, #tpu.memory_space<vmem>>, vector<1x16xi32>,
    %add3A_76 = arith.constant 800000 : i32
    %add3A_77 = vector.broadcast %add3A_76 : i32 to vector<16xi32>
    %add3A_78 = arith.addi %get3A_4, %add3A_77 : vector<16xi32>
    %swap3A_79 = arith.constant 8 : i32
    %swap3A_80 = arith.index_cast %swap3A_79 : i32 to index
    %swap3A_81 = arith.constant 0 : index
    %swap3A_82 = tpu.vector_load %arg6[%swap3A_80, %swap3A_81] {strides = array<i32>} : memref<16x32xi32, #tpu.memory_space<vmem>>, vector<1x16xi32>,
    %swap3A_83 = vector.shape_cast %swap3A_82 : vector<1x16xi32> to vector<16xi32>
    %swap3A_84 = vector.shape_cast %add3A_78 : vector<16xi32> to vector<1x16xi32>
    tpu.vector_store %arg6[%swap3A_80, %swap3A_81], %swap3A_84 {strides = array<i32>} : memref<16x32xi32, #tpu.memory_space<vmem>>, vector<1x16xi32>,
    %add3A_85 = arith.constant 900000 : i32
    %add3A_86 = vector.broadcast %add3A_85 : i32 to vector<16xi32>
    %add3A_87 = arith.addi %get3A_4, %add3A_86 : vector<16xi32>
    %swap3A_88 = arith.constant 9 : i32
    %swap3A_89 = arith.index_cast %swap3A_88 : i32 to index
    %swap3A_90 = arith.constant 0 : index
    %swap3A_91 = tpu.vector_load %arg6[%swap3A_89, %swap3A_90] {strides = array<i32>} : memref<16x32xi32, #tpu.memory_space<vmem>>, vector<1x16xi32>,
    %swap3A_92 = vector.shape_cast %swap3A_91 : vector<1x16xi32> to vector<16xi32>
    %swap3A_93 = vector.shape_cast %add3A_87 : vector<16xi32> to vector<1x16xi32>
    tpu.vector_store %arg6[%swap3A_89, %swap3A_90], %swap3A_93 {strides = array<i32>} : memref<16x32xi32, #tpu.memory_space<vmem>>, vector<1x16xi32>,
    %add3A_94 = arith.constant 1000000 : i32
    %add3A_95 = vector.broadcast %add3A_94 : i32 to vector<16xi32>
    %add3A_96 = arith.addi %get3A_4, %add3A_95 : vector<16xi32>
    %swap3A_97 = arith.constant 10 : i32
    %swap3A_98 = arith.index_cast %swap3A_97 : i32 to index
    %swap3A_99 = arith.constant 0 : index
    %swap3A_100 = tpu.vector_load %arg6[%swap3A_98, %swap3A_99] {strides = array<i32>} : memref<16x32xi32, #tpu.memory_space<vmem>>, vector<1x16xi32>,
    %swap3A_101 = vector.shape_cast %swap3A_100 : vector<1x16xi32> to vector<16xi32>
    %swap3A_102 = vector.shape_cast %add3A_96 : vector<16xi32> to vector<1x16xi32>
    tpu.vector_store %arg6[%swap3A_98, %swap3A_99], %swap3A_102 {strides = array<i32>} : memref<16x32xi32, #tpu.memory_space<vmem>>, vector<1x16xi32>,
    %add3A_103 = arith.constant 1100000 : i32
    %add3A_104 = vector.broadcast %add3A_103 : i32 to vector<16xi32>
    %add3A_105 = arith.addi %get3A_4, %add3A_104 : vector<16xi32>
    %swap3A_106 = arith.constant 11 : i32
    %swap3A_107 = arith.index_cast %swap3A_106 : i32 to index
    %swap3A_108 = arith.constant 0 : index
    %swap3A_109 = tpu.vector_load %arg6[%swap3A_107, %swap3A_108] {strides = array<i32>} : memref<16x32xi32, #tpu.memory_space<vmem>>, vector<1x16xi32>,
    %swap3A_110 = vector.shape_cast %swap3A_109 : vector<1x16xi32> to vector<16xi32>
    %swap3A_111 = vector.shape_cast %add3A_105 : vector<16xi32> to vector<1x16xi32>
    tpu.vector_store %arg6[%swap3A_107, %swap3A_108], %swap3A_111 {strides = array<i32>} : memref<16x32xi32, #tpu.memory_space<vmem>>, vector<1x16xi32>,
    %add3A_112 = arith.constant 1200000 : i32
    %add3A_113 = vector.broadcast %add3A_112 : i32 to vector<16xi32>
    %add3A_114 = arith.addi %get3A_4, %add3A_113 : vector<16xi32>
    %swap3A_115 = arith.constant 12 : i32
    %swap3A_116 = arith.index_cast %swap3A_115 : i32 to index
    %swap3A_117 = arith.constant 0 : index
    %swap3A_118 = tpu.vector_load %arg6[%swap3A_116, %swap3A_117] {strides = array<i32>} : memref<16x32xi32, #tpu.memory_space<vmem>>, vector<1x16xi32>,
    %swap3A_119 = vector.shape_cast %swap3A_118 : vector<1x16xi32> to vector<16xi32>
    %swap3A_120 = vector.shape_cast %add3A_114 : vector<16xi32> to vector<1x16xi32>
    tpu.vector_store %arg6[%swap3A_116, %swap3A_117], %swap3A_120 {strides = array<i32>} : memref<16x32xi32, #tpu.memory_space<vmem>>, vector<1x16xi32>,
    %add3A_121 = arith.constant 1300000 : i32
    %add3A_122 = vector.broadcast %add3A_121 : i32 to vector<16xi32>
    %add3A_123 = arith.addi %get3A_4, %add3A_122 : vector<16xi32>
    %swap3A_124 = arith.constant 13 : i32
    %swap3A_125 = arith.index_cast %swap3A_124 : i32 to index
    %swap3A_126 = arith.constant 0 : index
    %swap3A_127 = tpu.vector_load %arg6[%swap3A_125, %swap3A_126] {strides = array<i32>} : memref<16x32xi32, #tpu.memory_space<vmem>>, vector<1x16xi32>,
    %swap3A_128 = vector.shape_cast %swap3A_127 : vector<1x16xi32> to vector<16xi32>
    %swap3A_129 = vector.shape_cast %add3A_123 : vector<16xi32> to vector<1x16xi32>
    tpu.vector_store %arg6[%swap3A_125, %swap3A_126], %swap3A_129 {strides = array<i32>} : memref<16x32xi32, #tpu.memory_space<vmem>>, vector<1x16xi32>,
    %add3A_130 = arith.constant 1400000 : i32
    %add3A_131 = vector.broadcast %add3A_130 : i32 to vector<16xi32>
    %add3A_132 = arith.addi %get3A_4, %add3A_131 : vector<16xi32>
    %swap3A_133 = arith.constant 14 : i32
    %swap3A_134 = arith.index_cast %swap3A_133 : i32 to index
    %swap3A_135 = arith.constant 0 : index
    %swap3A_136 = tpu.vector_load %arg6[%swap3A_134, %swap3A_135] {strides = array<i32>} : memref<16x32xi32, #tpu.memory_space<vmem>>, vector<1x16xi32>,
    %swap3A_137 = vector.shape_cast %swap3A_136 : vector<1x16xi32> to vector<16xi32>
    %swap3A_138 = vector.shape_cast %add3A_132 : vector<16xi32> to vector<1x16xi32>
    tpu.vector_store %arg6[%swap3A_134, %swap3A_135], %swap3A_138 {strides = array<i32>} : memref<16x32xi32, #tpu.memory_space<vmem>>, vector<1x16xi32>,
    %add3A_139 = arith.constant 1500000 : i32
    %add3A_140 = vector.broadcast %add3A_139 : i32 to vector<16xi32>
    %add3A_141 = arith.addi %get3A_4, %add3A_140 : vector<16xi32>
    %swap3A_142 = arith.constant 15 : i32
    %swap3A_143 = arith.index_cast %swap3A_142 : i32 to index
    %swap3A_144 = arith.constant 0 : index
    %swap3A_145 = tpu.vector_load %arg6[%swap3A_143, %swap3A_144] {strides = array<i32>} : memref<16x32xi32, #tpu.memory_space<vmem>>, vector<1x16xi32>,
    %swap3A_146 = vector.shape_cast %swap3A_145 : vector<1x16xi32> to vector<16xi32>
    %swap3A_147 = vector.shape_cast %add3A_141 : vector<16xi32> to vector<1x16xi32>
    tpu.vector_store %arg6[%swap3A_143, %swap3A_144], %swap3A_147 {strides = array<i32>} : memref<16x32xi32, #tpu.memory_space<vmem>>, vector<1x16xi32>,
    %get3A_148 = arith.constant 16 : index
    %get3A_149 = tpu.vector_load %arg5[%get3A_148] {strides = array<i32>} : memref<32xi32, #tpu.memory_space<vmem>>, vector<16xi32>,
    %get3A_150 = vector.shape_cast %get3A_149 : vector<16xi32> to vector<16xi32>
    %add3A_151 = arith.constant 0 : i32
    %add3A_152 = vector.broadcast %add3A_151 : i32 to vector<16xi32>
    %add3A_153 = arith.addi %get3A_150, %add3A_152 : vector<16xi32>
    %swap3A_154 = arith.constant 0 : i32
    %swap3A_155 = arith.index_cast %swap3A_154 : i32 to index
    %swap3A_156 = arith.constant 16 : index
    %swap3A_157 = tpu.vector_load %arg6[%swap3A_155, %swap3A_156] {strides = array<i32>} : memref<16x32xi32, #tpu.memory_space<vmem>>, vector<1x16xi32>,
    %swap3A_158 = vector.shape_cast %swap3A_157 : vector<1x16xi32> to vector<16xi32>
    %swap3A_159 = vector.shape_cast %add3A_153 : vector<16xi32> to vector<1x16xi32>
    tpu.vector_store %arg6[%swap3A_155, %swap3A_156], %swap3A_159 {strides = array<i32>} : memref<16x32xi32, #tpu.memory_space<vmem>>, vector<1x16xi32>,
    %add3A_160 = arith.constant 100000 : i32
    %add3A_161 = vector.broadcast %add3A_160 : i32 to vector<16xi32>
    %add3A_162 = arith.addi %get3A_150, %add3A_161 : vector<16xi32>
    %swap3A_163 = arith.constant 1 : i32
    %swap3A_164 = arith.index_cast %swap3A_163 : i32 to index
    %swap3A_165 = arith.constant 16 : index
    %swap3A_166 = tpu.vector_load %arg6[%swap3A_164, %swap3A_165] {strides = array<i32>} : memref<16x32xi32, #tpu.memory_space<vmem>>, vector<1x16xi32>,
    %swap3A_167 = vector.shape_cast %swap3A_166 : vector<1x16xi32> to vector<16xi32>
    %swap3A_168 = vector.shape_cast %add3A_162 : vector<16xi32> to vector<1x16xi32>
    tpu.vector_store %arg6[%swap3A_164, %swap3A_165], %swap3A_168 {strides = array<i32>} : memref<16x32xi32, #tpu.memory_space<vmem>>, vector<1x16xi32>,
    %add3A_169 = arith.constant 200000 : i32
    %add3A_170 = vector.broadcast %add3A_169 : i32 to vector<16xi32>
    %add3A_171 = arith.addi %get3A_150, %add3A_170 : vector<16xi32>
    %swap3A_172 = arith.constant 2 : i32
    %swap3A_173 = arith.index_cast %swap3A_172 : i32 to index
    %swap3A_174 = arith.constant 16 : index
    %swap3A_175 = tpu.vector_load %arg6[%swap3A_173, %swap3A_174] {strides = array<i32>} : memref<16x32xi32, #tpu.memory_space<vmem>>, vector<1x16xi32>,
    %swap3A_176 = vector.shape_cast %swap3A_175 : vector<1x16xi32> to vector<16xi32>
    %swap3A_177 = vector.shape_cast %add3A_171 : vector<16xi32> to vector<1x16xi32>
    tpu.vector_store %arg6[%swap3A_173, %swap3A_174], %swap3A_177 {strides = array<i32>} : memref<16x32xi32, #tpu.memory_space<vmem>>, vector<1x16xi32>,
    %add3A_178 = arith.constant 300000 : i32
    %add3A_179 = vector.broadcast %add3A_178 : i32 to vector<16xi32>
    %add3A_180 = arith.addi %get3A_150, %add3A_179 : vector<16xi32>
    %swap3A_181 = arith.constant 3 : i32
    %swap3A_182 = arith.index_cast %swap3A_181 : i32 to index
    %swap3A_183 = arith.constant 16 : index
    %swap3A_184 = tpu.vector_load %arg6[%swap3A_182, %swap3A_183] {strides = array<i32>} : memref<16x32xi32, #tpu.memory_space<vmem>>, vector<1x16xi32>,
    %swap3A_185 = vector.shape_cast %swap3A_184 : vector<1x16xi32> to vector<16xi32>
    %swap3A_186 = vector.shape_cast %add3A_180 : vector<16xi32> to vector<1x16xi32>
    tpu.vector_store %arg6[%swap3A_182, %swap3A_183], %swap3A_186 {strides = array<i32>} : memref<16x32xi32, #tpu.memory_space<vmem>>, vector<1x16xi32>,
    %add3A_187 = arith.constant 400000 : i32
    %add3A_188 = vector.broadcast %add3A_187 : i32 to vector<16xi32>
    %add3A_189 = arith.addi %get3A_150, %add3A_188 : vector<16xi32>
    %swap3A_190 = arith.constant 4 : i32
    %swap3A_191 = arith.index_cast %swap3A_190 : i32 to index
    %swap3A_192 = arith.constant 16 : index
    %swap3A_193 = tpu.vector_load %arg6[%swap3A_191, %swap3A_192] {strides = array<i32>} : memref<16x32xi32, #tpu.memory_space<vmem>>, vector<1x16xi32>,
    %swap3A_194 = vector.shape_cast %swap3A_193 : vector<1x16xi32> to vector<16xi32>
    %swap3A_195 = vector.shape_cast %add3A_189 : vector<16xi32> to vector<1x16xi32>
    tpu.vector_store %arg6[%swap3A_191, %swap3A_192], %swap3A_195 {strides = array<i32>} : memref<16x32xi32, #tpu.memory_space<vmem>>, vector<1x16xi32>,
    %add3A_196 = arith.constant 500000 : i32
    %add3A_197 = vector.broadcast %add3A_196 : i32 to vector<16xi32>
    %add3A_198 = arith.addi %get3A_150, %add3A_197 : vector<16xi32>
    %swap3A_199 = arith.constant 5 : i32
    %swap3A_200 = arith.index_cast %swap3A_199 : i32 to index
    %swap3A_201 = arith.constant 16 : index
    %swap3A_202 = tpu.vector_load %arg6[%swap3A_200, %swap3A_201] {strides = array<i32>} : memref<16x32xi32, #tpu.memory_space<vmem>>, vector<1x16xi32>,
    %swap3A_203 = vector.shape_cast %swap3A_202 : vector<1x16xi32> to vector<16xi32>
    %swap3A_204 = vector.shape_cast %add3A_198 : vector<16xi32> to vector<1x16xi32>
    tpu.vector_store %arg6[%swap3A_200, %swap3A_201], %swap3A_204 {strides = array<i32>} : memref<16x32xi32, #tpu.memory_space<vmem>>, vector<1x16xi32>,
    %add3A_205 = arith.constant 600000 : i32
    %add3A_206 = vector.broadcast %add3A_205 : i32 to vector<16xi32>
    %add3A_207 = arith.addi %get3A_150, %add3A_206 : vector<16xi32>
    %swap3A_208 = arith.constant 6 : i32
    %swap3A_209 = arith.index_cast %swap3A_208 : i32 to index
    %swap3A_210 = arith.constant 16 : index
    %swap3A_211 = tpu.vector_load %arg6[%swap3A_209, %swap3A_210] {strides = array<i32>} : memref<16x32xi32, #tpu.memory_space<vmem>>, vector<1x16xi32>,
    %swap3A_212 = vector.shape_cast %swap3A_211 : vector<1x16xi32> to vector<16xi32>
    %swap3A_213 = vector.shape_cast %add3A_207 : vector<16xi32> to vector<1x16xi32>
    tpu.vector_store %arg6[%swap3A_209, %swap3A_210], %swap3A_213 {strides = array<i32>} : memref<16x32xi32, #tpu.memory_space<vmem>>, vector<1x16xi32>,
    %add3A_214 = arith.constant 700000 : i32
    %add3A_215 = vector.broadcast %add3A_214 : i32 to vector<16xi32>
    %add3A_216 = arith.addi %get3A_150, %add3A_215 : vector<16xi32>
    %swap3A_217 = arith.constant 7 : i32
    %swap3A_218 = arith.index_cast %swap3A_217 : i32 to index
    %swap3A_219 = arith.constant 16 : index
    %swap3A_220 = tpu.vector_load %arg6[%swap3A_218, %swap3A_219] {strides = array<i32>} : memref<16x32xi32, #tpu.memory_space<vmem>>, vector<1x16xi32>,
    %swap3A_221 = vector.shape_cast %swap3A_220 : vector<1x16xi32> to vector<16xi32>
    %swap3A_222 = vector.shape_cast %add3A_216 : vector<16xi32> to vector<1x16xi32>
    tpu.vector_store %arg6[%swap3A_218, %swap3A_219], %swap3A_222 {strides = array<i32>} : memref<16x32xi32, #tpu.memory_space<vmem>>, vector<1x16xi32>,
    %add3A_223 = arith.constant 800000 : i32
    %add3A_224 = vector.broadcast %add3A_223 : i32 to vector<16xi32>
    %add3A_225 = arith.addi %get3A_150, %add3A_224 : vector<16xi32>
    %swap3A_226 = arith.constant 8 : i32
    %swap3A_227 = arith.index_cast %swap3A_226 : i32 to index
    %swap3A_228 = arith.constant 16 : index
    %swap3A_229 = tpu.vector_load %arg6[%swap3A_227, %swap3A_228] {strides = array<i32>} : memref<16x32xi32, #tpu.memory_space<vmem>>, vector<1x16xi32>,
    %swap3A_230 = vector.shape_cast %swap3A_229 : vector<1x16xi32> to vector<16xi32>
    %swap3A_231 = vector.shape_cast %add3A_225 : vector<16xi32> to vector<1x16xi32>
    tpu.vector_store %arg6[%swap3A_227, %swap3A_228], %swap3A_231 {strides = array<i32>} : memref<16x32xi32, #tpu.memory_space<vmem>>, vector<1x16xi32>,
    %add3A_232 = arith.constant 900000 : i32
    %add3A_233 = vector.broadcast %add3A_232 : i32 to vector<16xi32>
    %add3A_234 = arith.addi %get3A_150, %add3A_233 : vector<16xi32>
    %swap3A_235 = arith.constant 9 : i32
    %swap3A_236 = arith.index_cast %swap3A_235 : i32 to index
    %swap3A_237 = arith.constant 16 : index
    %swap3A_238 = tpu.vector_load %arg6[%swap3A_236, %swap3A_237] {strides = array<i32>} : memref<16x32xi32, #tpu.memory_space<vmem>>, vector<1x16xi32>,
    %swap3A_239 = vector.shape_cast %swap3A_238 : vector<1x16xi32> to vector<16xi32>
    %swap3A_240 = vector.shape_cast %add3A_234 : vector<16xi32> to vector<1x16xi32>
    tpu.vector_store %arg6[%swap3A_236, %swap3A_237], %swap3A_240 {strides = array<i32>} : memref<16x32xi32, #tpu.memory_space<vmem>>, vector<1x16xi32>,
    %add3A_241 = arith.constant 1000000 : i32
    %add3A_242 = vector.broadcast %add3A_241 : i32 to vector<16xi32>
    %add3A_243 = arith.addi %get3A_150, %add3A_242 : vector<16xi32>
    %swap3A_244 = arith.constant 10 : i32
    %swap3A_245 = arith.index_cast %swap3A_244 : i32 to index
    %swap3A_246 = arith.constant 16 : index
    %swap3A_247 = tpu.vector_load %arg6[%swap3A_245, %swap3A_246] {strides = array<i32>} : memref<16x32xi32, #tpu.memory_space<vmem>>, vector<1x16xi32>,
    %swap3A_248 = vector.shape_cast %swap3A_247 : vector<1x16xi32> to vector<16xi32>
    %swap3A_249 = vector.shape_cast %add3A_243 : vector<16xi32> to vector<1x16xi32>
    tpu.vector_store %arg6[%swap3A_245, %swap3A_246], %swap3A_249 {strides = array<i32>} : memref<16x32xi32, #tpu.memory_space<vmem>>, vector<1x16xi32>,
    %add3A_250 = arith.constant 1100000 : i32
    %add3A_251 = vector.broadcast %add3A_250 : i32 to vector<16xi32>
    %add3A_252 = arith.addi %get3A_150, %add3A_251 : vector<16xi32>
    %swap3A_253 = arith.constant 11 : i32
    %swap3A_254 = arith.index_cast %swap3A_253 : i32 to index
    %swap3A_255 = arith.constant 16 : index
    %swap3A_256 = tpu.vector_load %arg6[%swap3A_254, %swap3A_255] {strides = array<i32>} : memref<16x32xi32, #tpu.memory_space<vmem>>, vector<1x16xi32>,
    %swap3A_257 = vector.shape_cast %swap3A_256 : vector<1x16xi32> to vector<16xi32>
    %swap3A_258 = vector.shape_cast %add3A_252 : vector<16xi32> to vector<1x16xi32>
    tpu.vector_store %arg6[%swap3A_254, %swap3A_255], %swap3A_258 {strides = array<i32>} : memref<16x32xi32, #tpu.memory_space<vmem>>, vector<1x16xi32>,
    %add3A_259 = arith.constant 1200000 : i32
    %add3A_260 = vector.broadcast %add3A_259 : i32 to vector<16xi32>
    %add3A_261 = arith.addi %get3A_150, %add3A_260 : vector<16xi32>
    %swap3A_262 = arith.constant 12 : i32
    %swap3A_263 = arith.index_cast %swap3A_262 : i32 to index
    %swap3A_264 = arith.constant 16 : index
    %swap3A_265 = tpu.vector_load %arg6[%swap3A_263, %swap3A_264] {strides = array<i32>} : memref<16x32xi32, #tpu.memory_space<vmem>>, vector<1x16xi32>,
    %swap3A_266 = vector.shape_cast %swap3A_265 : vector<1x16xi32> to vector<16xi32>
    %swap3A_267 = vector.shape_cast %add3A_261 : vector<16xi32> to vector<1x16xi32>
    tpu.vector_store %arg6[%swap3A_263, %swap3A_264], %swap3A_267 {strides = array<i32>} : memref<16x32xi32, #tpu.memory_space<vmem>>, vector<1x16xi32>,
    %add3A_268 = arith.constant 1300000 : i32
    %add3A_269 = vector.broadcast %add3A_268 : i32 to vector<16xi32>
    %add3A_270 = arith.addi %get3A_150, %add3A_269 : vector<16xi32>
    %swap3A_271 = arith.constant 13 : i32
    %swap3A_272 = arith.index_cast %swap3A_271 : i32 to index
    %swap3A_273 = arith.constant 16 : index
    %swap3A_274 = tpu.vector_load %arg6[%swap3A_272, %swap3A_273] {strides = array<i32>} : memref<16x32xi32, #tpu.memory_space<vmem>>, vector<1x16xi32>,
    %swap3A_275 = vector.shape_cast %swap3A_274 : vector<1x16xi32> to vector<16xi32>
    %swap3A_276 = vector.shape_cast %add3A_270 : vector<16xi32> to vector<1x16xi32>
    tpu.vector_store %arg6[%swap3A_272, %swap3A_273], %swap3A_276 {strides = array<i32>} : memref<16x32xi32, #tpu.memory_space<vmem>>, vector<1x16xi32>,
    %add3A_277 = arith.constant 1400000 : i32
    %add3A_278 = vector.broadcast %add3A_277 : i32 to vector<16xi32>
    %add3A_279 = arith.addi %get3A_150, %add3A_278 : vector<16xi32>
    %swap3A_280 = arith.constant 14 : i32
    %swap3A_281 = arith.index_cast %swap3A_280 : i32 to index
    %swap3A_282 = arith.constant 16 : index
    %swap3A_283 = tpu.vector_load %arg6[%swap3A_281, %swap3A_282] {strides = array<i32>} : memref<16x32xi32, #tpu.memory_space<vmem>>, vector<1x16xi32>,
    %swap3A_284 = vector.shape_cast %swap3A_283 : vector<1x16xi32> to vector<16xi32>
    %swap3A_285 = vector.shape_cast %add3A_279 : vector<16xi32> to vector<1x16xi32>
    tpu.vector_store %arg6[%swap3A_281, %swap3A_282], %swap3A_285 {strides = array<i32>} : memref<16x32xi32, #tpu.memory_space<vmem>>, vector<1x16xi32>,
    %add3A_286 = arith.constant 1500000 : i32
    %add3A_287 = vector.broadcast %add3A_286 : i32 to vector<16xi32>
    %add3A_288 = arith.addi %get3A_150, %add3A_287 : vector<16xi32>
    %swap3A_289 = arith.constant 15 : i32
    %swap3A_290 = arith.index_cast %swap3A_289 : i32 to index
    %swap3A_291 = arith.constant 16 : index
    %swap3A_292 = tpu.vector_load %arg6[%swap3A_290, %swap3A_291] {strides = array<i32>} : memref<16x32xi32, #tpu.memory_space<vmem>>, vector<1x16xi32>,
    %swap3A_293 = vector.shape_cast %swap3A_292 : vector<1x16xi32> to vector<16xi32>
    %swap3A_294 = vector.shape_cast %add3A_288 : vector<16xi32> to vector<1x16xi32>
    tpu.vector_store %arg6[%swap3A_290, %swap3A_291], %swap3A_294 {strides = array<i32>} : memref<16x32xi32, #tpu.memory_space<vmem>>, vector<1x16xi32>,
    %dma_start3A = arith.constant 0 : i32
    %dma_start3A_295 = arith.constant 0 : i32
    %dma_start3A_296 = arith.constant 0 : i32
    %dma_start3A_297 = tpu.memref_slice %arg7[%dma_start3A_295, %dma_start3A_296] : memref<16x32xf32, #tpu.memory_space<vmem>> -> memref<1x32xf32, #tpu.memory_space<vmem>>
    %dma_start3A_298 = tpu.memref_squeeze %dma_start3A_297 : memref<1x32xf32, #tpu.memory_space<vmem>> -> memref<32xf32, #tpu.memory_space<vmem>>
    %dma_start3A_299 = arith.constant 0 : i32
    %dma_start3A_300 = tpu.memref_slice %arg6[%dma_start3A, %dma_start3A_299] : memref<16x32xi32, #tpu.memory_space<vmem>> -> memref<1x32xi32, #tpu.memory_space<vmem>>
    %dma_start3A_301 = tpu.memref_squeeze %dma_start3A_300 : memref<1x32xi32, #tpu.memory_space<vmem>> -> memref<32xi32, #tpu.memory_space<vmem>>
    %dma_start3A_302 = arith.constant 0 : i32
    %dma_start3A_303 = tpu.memref_slice %arg3[%dma_start3A_302] : memref<1600000xf32, #tpu.memory_space<hbm>> -> memref<1600000xf32, #tpu.memory_space<hbm>>
    tpu.enqueue_indirect_dma source(%dma_start3A_303 : memref<1600000xf32, #tpu.memory_space<hbm>>) target(%dma_start3A_298 : memref<32xf32, #tpu.memory_space<vmem>>) offsets(%dma_start3A_301 : memref<32xi32, #tpu.memory_space<vmem>>) semaphore(%arg8 : memref<!tpu.dma_semaphore, #tpu.memory_space<semaphore_mem>>)
    %dma_start3A_304 = arith.constant 1 : i32
    %dma_start3A_305 = arith.constant 1 : i32
    %dma_start3A_306 = arith.constant 0 : i32
    %dma_start3A_307 = tpu.memref_slice %arg7[%dma_start3A_305, %dma_start3A_306] : memref<16x32xf32, #tpu.memory_space<vmem>> -> memref<1x32xf32, #tpu.memory_space<vmem>>
    %dma_start3A_308 = tpu.memref_squeeze %dma_start3A_307 : memref<1x32xf32, #tpu.memory_space<vmem>> -> memref<32xf32, #tpu.memory_space<vmem>>
    %dma_start3A_309 = arith.constant 0 : i32
    %dma_start3A_310 = tpu.memref_slice %arg6[%dma_start3A_304, %dma_start3A_309] : memref<16x32xi32, #tpu.memory_space<vmem>> -> memref<1x32xi32, #tpu.memory_space<vmem>>
    %dma_start3A_311 = tpu.memref_squeeze %dma_start3A_310 : memref<1x32xi32, #tpu.memory_space<vmem>> -> memref<32xi32, #tpu.memory_space<vmem>>
    %dma_start3A_312 = arith.constant 0 : i32
    %dma_start3A_313 = tpu.memref_slice %arg3[%dma_start3A_312] : memref<1600000xf32, #tpu.memory_space<hbm>> -> memref<1600000xf32, #tpu.memory_space<hbm>>
    tpu.enqueue_indirect_dma source(%dma_start3A_313 : memref<1600000xf32, #tpu.memory_space<hbm>>) target(%dma_start3A_308 : memref<32xf32, #tpu.memory_space<vmem>>) offsets(%dma_start3A_311 : memref<32xi32, #tpu.memory_space<vmem>>) semaphore(%arg8 : memref<!tpu.dma_semaphore, #tpu.memory_space<semaphore_mem>>)
    %dma_start3A_314 = arith.constant 2 : i32
    %dma_start3A_315 = arith.constant 2 : i32
    %dma_start3A_316 = arith.constant 0 : i32
    %dma_start3A_317 = tpu.memref_slice %arg7[%dma_start3A_315, %dma_start3A_316] : memref<16x32xf32, #tpu.memory_space<vmem>> -> memref<1x32xf32, #tpu.memory_space<vmem>>
    %dma_start3A_318 = tpu.memref_squeeze %dma_start3A_317 : memref<1x32xf32, #tpu.memory_space<vmem>> -> memref<32xf32, #tpu.memory_space<vmem>>
    %dma_start3A_319 = arith.constant 0 : i32
    %dma_start3A_320 = tpu.memref_slice %arg6[%dma_start3A_314, %dma_start3A_319] : memref<16x32xi32, #tpu.memory_space<vmem>> -> memref<1x32xi32, #tpu.memory_space<vmem>>
    %dma_start3A_321 = tpu.memref_squeeze %dma_start3A_320 : memref<1x32xi32, #tpu.memory_space<vmem>> -> memref<32xi32, #tpu.memory_space<vmem>>
    %dma_start3A_322 = arith.constant 0 : i32
    %dma_start3A_323 = tpu.memref_slice %arg3[%dma_start3A_322] : memref<1600000xf32, #tpu.memory_space<hbm>> -> memref<1600000xf32, #tpu.memory_space<hbm>>
    tpu.enqueue_indirect_dma source(%dma_start3A_323 : memref<1600000xf32, #tpu.memory_space<hbm>>) target(%dma_start3A_318 : memref<32xf32, #tpu.memory_space<vmem>>) offsets(%dma_start3A_321 : memref<32xi32, #tpu.memory_space<vmem>>) semaphore(%arg8 : memref<!tpu.dma_semaphore, #tpu.memory_space<semaphore_mem>>)
    %dma_start3A_324 = arith.constant 3 : i32
    %dma_start3A_325 = arith.constant 3 : i32
    %dma_start3A_326 = arith.constant 0 : i32
    %dma_start3A_327 = tpu.memref_slice %arg7[%dma_start3A_325, %dma_start3A_326] : memref<16x32xf32, #tpu.memory_space<vmem>> -> memref<1x32xf32, #tpu.memory_space<vmem>>
    %dma_start3A_328 = tpu.memref_squeeze %dma_start3A_327 : memref<1x32xf32, #tpu.memory_space<vmem>> -> memref<32xf32, #tpu.memory_space<vmem>>
    %dma_start3A_329 = arith.constant 0 : i32
    %dma_start3A_330 = tpu.memref_slice %arg6[%dma_start3A_324, %dma_start3A_329] : memref<16x32xi32, #tpu.memory_space<vmem>> -> memref<1x32xi32, #tpu.memory_space<vmem>>
    %dma_start3A_331 = tpu.memref_squeeze %dma_start3A_330 : memref<1x32xi32, #tpu.memory_space<vmem>> -> memref<32xi32, #tpu.memory_space<vmem>>
    %dma_start3A_332 = arith.constant 0 : i32
    %dma_start3A_333 = tpu.memref_slice %arg3[%dma_start3A_332] : memref<1600000xf32, #tpu.memory_space<hbm>> -> memref<1600000xf32, #tpu.memory_space<hbm>>
    tpu.enqueue_indirect_dma source(%dma_start3A_333 : memref<1600000xf32, #tpu.memory_space<hbm>>) target(%dma_start3A_328 : memref<32xf32, #tpu.memory_space<vmem>>) offsets(%dma_start3A_331 : memref<32xi32, #tpu.memory_space<vmem>>) semaphore(%arg8 : memref<!tpu.dma_semaphore, #tpu.memory_space<semaphore_mem>>)
    %dma_start3A_334 = arith.constant 4 : i32
    %dma_start3A_335 = arith.constant 4 : i32
    %dma_start3A_336 = arith.constant 0 : i32
    %dma_start3A_337 = tpu.memref_slice %arg7[%dma_start3A_335, %dma_start3A_336] : memref<16x32xf32, #tpu.memory_space<vmem>> -> memref<1x32xf32, #tpu.memory_space<vmem>>
    %dma_start3A_338 = tpu.memref_squeeze %dma_start3A_337 : memref<1x32xf32, #tpu.memory_space<vmem>> -> memref<32xf32, #tpu.memory_space<vmem>>
    %dma_start3A_339 = arith.constant 0 : i32
    %dma_start3A_340 = tpu.memref_slice %arg6[%dma_start3A_334, %dma_start3A_339] : memref<16x32xi32, #tpu.memory_space<vmem>> -> memref<1x32xi32, #tpu.memory_space<vmem>>
    %dma_start3A_341 = tpu.memref_squeeze %dma_start3A_340 : memref<1x32xi32, #tpu.memory_space<vmem>> -> memref<32xi32, #tpu.memory_space<vmem>>
    %dma_start3A_342 = arith.constant 0 : i32
    %dma_start3A_343 = tpu.memref_slice %arg3[%dma_start3A_342] : memref<1600000xf32, #tpu.memory_space<hbm>> -> memref<1600000xf32, #tpu.memory_space<hbm>>
    tpu.enqueue_indirect_dma source(%dma_start3A_343 : memref<1600000xf32, #tpu.memory_space<hbm>>) target(%dma_start3A_338 : memref<32xf32, #tpu.memory_space<vmem>>) offsets(%dma_start3A_341 : memref<32xi32, #tpu.memory_space<vmem>>) semaphore(%arg8 : memref<!tpu.dma_semaphore, #tpu.memory_space<semaphore_mem>>)
    %dma_start3A_344 = arith.constant 5 : i32
    %dma_start3A_345 = arith.constant 5 : i32
    %dma_start3A_346 = arith.constant 0 : i32
    %dma_start3A_347 = tpu.memref_slice %arg7[%dma_start3A_345, %dma_start3A_346] : memref<16x32xf32, #tpu.memory_space<vmem>> -> memref<1x32xf32, #tpu.memory_space<vmem>>
    %dma_start3A_348 = tpu.memref_squeeze %dma_start3A_347 : memref<1x32xf32, #tpu.memory_space<vmem>> -> memref<32xf32, #tpu.memory_space<vmem>>
    %dma_start3A_349 = arith.constant 0 : i32
    %dma_start3A_350 = tpu.memref_slice %arg6[%dma_start3A_344, %dma_start3A_349] : memref<16x32xi32, #tpu.memory_space<vmem>> -> memref<1x32xi32, #tpu.memory_space<vmem>>
    %dma_start3A_351 = tpu.memref_squeeze %dma_start3A_350 : memref<1x32xi32, #tpu.memory_space<vmem>> -> memref<32xi32, #tpu.memory_space<vmem>>
    %dma_start3A_352 = arith.constant 0 : i32
    %dma_start3A_353 = tpu.memref_slice %arg3[%dma_start3A_352] : memref<1600000xf32, #tpu.memory_space<hbm>> -> memref<1600000xf32, #tpu.memory_space<hbm>>
    tpu.enqueue_indirect_dma source(%dma_start3A_353 : memref<1600000xf32, #tpu.memory_space<hbm>>) target(%dma_start3A_348 : memref<32xf32, #tpu.memory_space<vmem>>) offsets(%dma_start3A_351 : memref<32xi32, #tpu.memory_space<vmem>>) semaphore(%arg8 : memref<!tpu.dma_semaphore, #tpu.memory_space<semaphore_mem>>)
    %dma_start3A_354 = arith.constant 6 : i32
    %dma_start3A_355 = arith.constant 6 : i32
    %dma_start3A_356 = arith.constant 0 : i32
    %dma_start3A_357 = tpu.memref_slice %arg7[%dma_start3A_355, %dma_start3A_356] : memref<16x32xf32, #tpu.memory_space<vmem>> -> memref<1x32xf32, #tpu.memory_space<vmem>>
    %dma_start3A_358 = tpu.memref_squeeze %dma_start3A_357 : memref<1x32xf32, #tpu.memory_space<vmem>> -> memref<32xf32, #tpu.memory_space<vmem>>
    %dma_start3A_359 = arith.constant 0 : i32
    %dma_start3A_360 = tpu.memref_slice %arg6[%dma_start3A_354, %dma_start3A_359] : memref<16x32xi32, #tpu.memory_space<vmem>> -> memref<1x32xi32, #tpu.memory_space<vmem>>
    %dma_start3A_361 = tpu.memref_squeeze %dma_start3A_360 : memref<1x32xi32, #tpu.memory_space<vmem>> -> memref<32xi32, #tpu.memory_space<vmem>>
    %dma_start3A_362 = arith.constant 0 : i32
    %dma_start3A_363 = tpu.memref_slice %arg3[%dma_start3A_362] : memref<1600000xf32, #tpu.memory_space<hbm>> -> memref<1600000xf32, #tpu.memory_space<hbm>>
    tpu.enqueue_indirect_dma source(%dma_start3A_363 : memref<1600000xf32, #tpu.memory_space<hbm>>) target(%dma_start3A_358 : memref<32xf32, #tpu.memory_space<vmem>>) offsets(%dma_start3A_361 : memref<32xi32, #tpu.memory_space<vmem>>) semaphore(%arg8 : memref<!tpu.dma_semaphore, #tpu.memory_space<semaphore_mem>>)
    %dma_start3A_364 = arith.constant 7 : i32
    %dma_start3A_365 = arith.constant 7 : i32
    %dma_start3A_366 = arith.constant 0 : i32
    %dma_start3A_367 = tpu.memref_slice %arg7[%dma_start3A_365, %dma_start3A_366] : memref<16x32xf32, #tpu.memory_space<vmem>> -> memref<1x32xf32, #tpu.memory_space<vmem>>
    %dma_start3A_368 = tpu.memref_squeeze %dma_start3A_367 : memref<1x32xf32, #tpu.memory_space<vmem>> -> memref<32xf32, #tpu.memory_space<vmem>>
    %dma_start3A_369 = arith.constant 0 : i32
    %dma_start3A_370 = tpu.memref_slice %arg6[%dma_start3A_364, %dma_start3A_369] : memref<16x32xi32, #tpu.memory_space<vmem>> -> memref<1x32xi32, #tpu.memory_space<vmem>>
    %dma_start3A_371 = tpu.memref_squeeze %dma_start3A_370 : memref<1x32xi32, #tpu.memory_space<vmem>> -> memref<32xi32, #tpu.memory_space<vmem>>
    %dma_start3A_372 = arith.constant 0 : i32
    %dma_start3A_373 = tpu.memref_slice %arg3[%dma_start3A_372] : memref<1600000xf32, #tpu.memory_space<hbm>> -> memref<1600000xf32, #tpu.memory_space<hbm>>
    tpu.enqueue_indirect_dma source(%dma_start3A_373 : memref<1600000xf32, #tpu.memory_space<hbm>>) target(%dma_start3A_368 : memref<32xf32, #tpu.memory_space<vmem>>) offsets(%dma_start3A_371 : memref<32xi32, #tpu.memory_space<vmem>>) semaphore(%arg8 : memref<!tpu.dma_semaphore, #tpu.memory_space<semaphore_mem>>)
    %dma_start3A_374 = arith.constant 8 : i32
    %dma_start3A_375 = arith.constant 8 : i32
    %dma_start3A_376 = arith.constant 0 : i32
    %dma_start3A_377 = tpu.memref_slice %arg7[%dma_start3A_375, %dma_start3A_376] : memref<16x32xf32, #tpu.memory_space<vmem>> -> memref<1x32xf32, #tpu.memory_space<vmem>>
    %dma_start3A_378 = tpu.memref_squeeze %dma_start3A_377 : memref<1x32xf32, #tpu.memory_space<vmem>> -> memref<32xf32, #tpu.memory_space<vmem>>
    %dma_start3A_379 = arith.constant 0 : i32
    %dma_start3A_380 = tpu.memref_slice %arg6[%dma_start3A_374, %dma_start3A_379] : memref<16x32xi32, #tpu.memory_space<vmem>> -> memref<1x32xi32, #tpu.memory_space<vmem>>
    %dma_start3A_381 = tpu.memref_squeeze %dma_start3A_380 : memref<1x32xi32, #tpu.memory_space<vmem>> -> memref<32xi32, #tpu.memory_space<vmem>>
    %dma_start3A_382 = arith.constant 0 : i32
    %dma_start3A_383 = tpu.memref_slice %arg3[%dma_start3A_382] : memref<1600000xf32, #tpu.memory_space<hbm>> -> memref<1600000xf32, #tpu.memory_space<hbm>>
    tpu.enqueue_indirect_dma source(%dma_start3A_383 : memref<1600000xf32, #tpu.memory_space<hbm>>) target(%dma_start3A_378 : memref<32xf32, #tpu.memory_space<vmem>>) offsets(%dma_start3A_381 : memref<32xi32, #tpu.memory_space<vmem>>) semaphore(%arg8 : memref<!tpu.dma_semaphore, #tpu.memory_space<semaphore_mem>>)
    %dma_start3A_384 = arith.constant 9 : i32
    %dma_start3A_385 = arith.constant 9 : i32
    %dma_start3A_386 = arith.constant 0 : i32
    %dma_start3A_387 = tpu.memref_slice %arg7[%dma_start3A_385, %dma_start3A_386] : memref<16x32xf32, #tpu.memory_space<vmem>> -> memref<1x32xf32, #tpu.memory_space<vmem>>
    %dma_start3A_388 = tpu.memref_squeeze %dma_start3A_387 : memref<1x32xf32, #tpu.memory_space<vmem>> -> memref<32xf32, #tpu.memory_space<vmem>>
    %dma_start3A_389 = arith.constant 0 : i32
    %dma_start3A_390 = tpu.memref_slice %arg6[%dma_start3A_384, %dma_start3A_389] : memref<16x32xi32, #tpu.memory_space<vmem>> -> memref<1x32xi32, #tpu.memory_space<vmem>>
    %dma_start3A_391 = tpu.memref_squeeze %dma_start3A_390 : memref<1x32xi32, #tpu.memory_space<vmem>> -> memref<32xi32, #tpu.memory_space<vmem>>
    %dma_start3A_392 = arith.constant 0 : i32
    %dma_start3A_393 = tpu.memref_slice %arg3[%dma_start3A_392] : memref<1600000xf32, #tpu.memory_space<hbm>> -> memref<1600000xf32, #tpu.memory_space<hbm>>
    tpu.enqueue_indirect_dma source(%dma_start3A_393 : memref<1600000xf32, #tpu.memory_space<hbm>>) target(%dma_start3A_388 : memref<32xf32, #tpu.memory_space<vmem>>) offsets(%dma_start3A_391 : memref<32xi32, #tpu.memory_space<vmem>>) semaphore(%arg8 : memref<!tpu.dma_semaphore, #tpu.memory_space<semaphore_mem>>)
    %dma_start3A_394 = arith.constant 10 : i32
    %dma_start3A_395 = arith.constant 10 : i32
    %dma_start3A_396 = arith.constant 0 : i32
    %dma_start3A_397 = tpu.memref_slice %arg7[%dma_start3A_395, %dma_start3A_396] : memref<16x32xf32, #tpu.memory_space<vmem>> -> memref<1x32xf32, #tpu.memory_space<vmem>>
    %dma_start3A_398 = tpu.memref_squeeze %dma_start3A_397 : memref<1x32xf32, #tpu.memory_space<vmem>> -> memref<32xf32, #tpu.memory_space<vmem>>
    %dma_start3A_399 = arith.constant 0 : i32
    %dma_start3A_400 = tpu.memref_slice %arg6[%dma_start3A_394, %dma_start3A_399] : memref<16x32xi32, #tpu.memory_space<vmem>> -> memref<1x32xi32, #tpu.memory_space<vmem>>
    %dma_start3A_401 = tpu.memref_squeeze %dma_start3A_400 : memref<1x32xi32, #tpu.memory_space<vmem>> -> memref<32xi32, #tpu.memory_space<vmem>>
    %dma_start3A_402 = arith.constant 0 : i32
    %dma_start3A_403 = tpu.memref_slice %arg3[%dma_start3A_402] : memref<1600000xf32, #tpu.memory_space<hbm>> -> memref<1600000xf32, #tpu.memory_space<hbm>>
    tpu.enqueue_indirect_dma source(%dma_start3A_403 : memref<1600000xf32, #tpu.memory_space<hbm>>) target(%dma_start3A_398 : memref<32xf32, #tpu.memory_space<vmem>>) offsets(%dma_start3A_401 : memref<32xi32, #tpu.memory_space<vmem>>) semaphore(%arg8 : memref<!tpu.dma_semaphore, #tpu.memory_space<semaphore_mem>>)
    %dma_start3A_404 = arith.constant 11 : i32
    %dma_start3A_405 = arith.constant 11 : i32
    %dma_start3A_406 = arith.constant 0 : i32
    %dma_start3A_407 = tpu.memref_slice %arg7[%dma_start3A_405, %dma_start3A_406] : memref<16x32xf32, #tpu.memory_space<vmem>> -> memref<1x32xf32, #tpu.memory_space<vmem>>
    %dma_start3A_408 = tpu.memref_squeeze %dma_start3A_407 : memref<1x32xf32, #tpu.memory_space<vmem>> -> memref<32xf32, #tpu.memory_space<vmem>>
    %dma_start3A_409 = arith.constant 0 : i32
    %dma_start3A_410 = tpu.memref_slice %arg6[%dma_start3A_404, %dma_start3A_409] : memref<16x32xi32, #tpu.memory_space<vmem>> -> memref<1x32xi32, #tpu.memory_space<vmem>>
    %dma_start3A_411 = tpu.memref_squeeze %dma_start3A_410 : memref<1x32xi32, #tpu.memory_space<vmem>> -> memref<32xi32, #tpu.memory_space<vmem>>
    %dma_start3A_412 = arith.constant 0 : i32
    %dma_start3A_413 = tpu.memref_slice %arg3[%dma_start3A_412] : memref<1600000xf32, #tpu.memory_space<hbm>> -> memref<1600000xf32, #tpu.memory_space<hbm>>
    tpu.enqueue_indirect_dma source(%dma_start3A_413 : memref<1600000xf32, #tpu.memory_space<hbm>>) target(%dma_start3A_408 : memref<32xf32, #tpu.memory_space<vmem>>) offsets(%dma_start3A_411 : memref<32xi32, #tpu.memory_space<vmem>>) semaphore(%arg8 : memref<!tpu.dma_semaphore, #tpu.memory_space<semaphore_mem>>)
    %dma_start3A_414 = arith.constant 12 : i32
    %dma_start3A_415 = arith.constant 12 : i32
    %dma_start3A_416 = arith.constant 0 : i32
    %dma_start3A_417 = tpu.memref_slice %arg7[%dma_start3A_415, %dma_start3A_416] : memref<16x32xf32, #tpu.memory_space<vmem>> -> memref<1x32xf32, #tpu.memory_space<vmem>>
    %dma_start3A_418 = tpu.memref_squeeze %dma_start3A_417 : memref<1x32xf32, #tpu.memory_space<vmem>> -> memref<32xf32, #tpu.memory_space<vmem>>
    %dma_start3A_419 = arith.constant 0 : i32
    %dma_start3A_420 = tpu.memref_slice %arg6[%dma_start3A_414, %dma_start3A_419] : memref<16x32xi32, #tpu.memory_space<vmem>> -> memref<1x32xi32, #tpu.memory_space<vmem>>
    %dma_start3A_421 = tpu.memref_squeeze %dma_start3A_420 : memref<1x32xi32, #tpu.memory_space<vmem>> -> memref<32xi32, #tpu.memory_space<vmem>>
    %dma_start3A_422 = arith.constant 0 : i32
    %dma_start3A_423 = tpu.memref_slice %arg3[%dma_start3A_422] : memref<1600000xf32, #tpu.memory_space<hbm>> -> memref<1600000xf32, #tpu.memory_space<hbm>>
    tpu.enqueue_indirect_dma source(%dma_start3A_423 : memref<1600000xf32, #tpu.memory_space<hbm>>) target(%dma_start3A_418 : memref<32xf32, #tpu.memory_space<vmem>>) offsets(%dma_start3A_421 : memref<32xi32, #tpu.memory_space<vmem>>) semaphore(%arg8 : memref<!tpu.dma_semaphore, #tpu.memory_space<semaphore_mem>>)
    %dma_start3A_424 = arith.constant 13 : i32
    %dma_start3A_425 = arith.constant 13 : i32
    %dma_start3A_426 = arith.constant 0 : i32
    %dma_start3A_427 = tpu.memref_slice %arg7[%dma_start3A_425, %dma_start3A_426] : memref<16x32xf32, #tpu.memory_space<vmem>> -> memref<1x32xf32, #tpu.memory_space<vmem>>
    %dma_start3A_428 = tpu.memref_squeeze %dma_start3A_427 : memref<1x32xf32, #tpu.memory_space<vmem>> -> memref<32xf32, #tpu.memory_space<vmem>>
    %dma_start3A_429 = arith.constant 0 : i32
    %dma_start3A_430 = tpu.memref_slice %arg6[%dma_start3A_424, %dma_start3A_429] : memref<16x32xi32, #tpu.memory_space<vmem>> -> memref<1x32xi32, #tpu.memory_space<vmem>>
    %dma_start3A_431 = tpu.memref_squeeze %dma_start3A_430 : memref<1x32xi32, #tpu.memory_space<vmem>> -> memref<32xi32, #tpu.memory_space<vmem>>
    %dma_start3A_432 = arith.constant 0 : i32
    %dma_start3A_433 = tpu.memref_slice %arg3[%dma_start3A_432] : memref<1600000xf32, #tpu.memory_space<hbm>> -> memref<1600000xf32, #tpu.memory_space<hbm>>
    tpu.enqueue_indirect_dma source(%dma_start3A_433 : memref<1600000xf32, #tpu.memory_space<hbm>>) target(%dma_start3A_428 : memref<32xf32, #tpu.memory_space<vmem>>) offsets(%dma_start3A_431 : memref<32xi32, #tpu.memory_space<vmem>>) semaphore(%arg8 : memref<!tpu.dma_semaphore, #tpu.memory_space<semaphore_mem>>)
    %dma_start3A_434 = arith.constant 14 : i32
    %dma_start3A_435 = arith.constant 14 : i32
    %dma_start3A_436 = arith.constant 0 : i32
    %dma_start3A_437 = tpu.memref_slice %arg7[%dma_start3A_435, %dma_start3A_436] : memref<16x32xf32, #tpu.memory_space<vmem>> -> memref<1x32xf32, #tpu.memory_space<vmem>>
    %dma_start3A_438 = tpu.memref_squeeze %dma_start3A_437 : memref<1x32xf32, #tpu.memory_space<vmem>> -> memref<32xf32, #tpu.memory_space<vmem>>
    %dma_start3A_439 = arith.constant 0 : i32
    %dma_start3A_440 = tpu.memref_slice %arg6[%dma_start3A_434, %dma_start3A_439] : memref<16x32xi32, #tpu.memory_space<vmem>> -> memref<1x32xi32, #tpu.memory_space<vmem>>
    %dma_start3A_441 = tpu.memref_squeeze %dma_start3A_440 : memref<1x32xi32, #tpu.memory_space<vmem>> -> memref<32xi32, #tpu.memory_space<vmem>>
    %dma_start3A_442 = arith.constant 0 : i32
    %dma_start3A_443 = tpu.memref_slice %arg3[%dma_start3A_442] : memref<1600000xf32, #tpu.memory_space<hbm>> -> memref<1600000xf32, #tpu.memory_space<hbm>>
    tpu.enqueue_indirect_dma source(%dma_start3A_443 : memref<1600000xf32, #tpu.memory_space<hbm>>) target(%dma_start3A_438 : memref<32xf32, #tpu.memory_space<vmem>>) offsets(%dma_start3A_441 : memref<32xi32, #tpu.memory_space<vmem>>) semaphore(%arg8 : memref<!tpu.dma_semaphore, #tpu.memory_space<semaphore_mem>>)
    %dma_start3A_444 = arith.constant 15 : i32
    %dma_start3A_445 = arith.constant 15 : i32
    %dma_start3A_446 = arith.constant 0 : i32
    %dma_start3A_447 = tpu.memref_slice %arg7[%dma_start3A_445, %dma_start3A_446] : memref<16x32xf32, #tpu.memory_space<vmem>> -> memref<1x32xf32, #tpu.memory_space<vmem>>
    %dma_start3A_448 = tpu.memref_squeeze %dma_start3A_447 : memref<1x32xf32, #tpu.memory_space<vmem>> -> memref<32xf32, #tpu.memory_space<vmem>>
    %dma_start3A_449 = arith.constant 0 : i32
    %dma_start3A_450 = tpu.memref_slice %arg6[%dma_start3A_444, %dma_start3A_449] : memref<16x32xi32, #tpu.memory_space<vmem>> -> memref<1x32xi32, #tpu.memory_space<vmem>>
    %dma_start3A_451 = tpu.memref_squeeze %dma_start3A_450 : memref<1x32xi32, #tpu.memory_space<vmem>> -> memref<32xi32, #tpu.memory_space<vmem>>
    %dma_start3A_452 = arith.constant 0 : i32
    %dma_start3A_453 = tpu.memref_slice %arg3[%dma_start3A_452] : memref<1600000xf32, #tpu.memory_space<hbm>> -> memref<1600000xf32, #tpu.memory_space<hbm>>
    tpu.enqueue_indirect_dma source(%dma_start3A_453 : memref<1600000xf32, #tpu.memory_space<hbm>>) target(%dma_start3A_448 : memref<32xf32, #tpu.memory_space<vmem>>) offsets(%dma_start3A_451 : memref<32xi32, #tpu.memory_space<vmem>>) semaphore(%arg8 : memref<!tpu.dma_semaphore, #tpu.memory_space<semaphore_mem>>)
    %dma_wait3A = arith.constant 0 : i32
    %dma_wait3A_454 = arith.constant 0 : i32
    %dma_wait3A_455 = arith.constant 0 : i32
    %dma_wait3A_456 = tpu.memref_slice %arg7[%dma_wait3A_454, %dma_wait3A_455] : memref<16x32xf32, #tpu.memory_space<vmem>> -> memref<1x32xf32, #tpu.memory_space<vmem>>
    %dma_wait3A_457 = tpu.memref_squeeze %dma_wait3A_456 : memref<1x32xf32, #tpu.memory_space<vmem>> -> memref<32xf32, #tpu.memory_space<vmem>>
    %dma_wait3A_458 = arith.constant 0 : i32
    %dma_wait3A_459 = tpu.memref_slice %arg6[%dma_wait3A, %dma_wait3A_458] : memref<16x32xi32, #tpu.memory_space<vmem>> -> memref<1x32xi32, #tpu.memory_space<vmem>>
    %dma_wait3A_460 = tpu.memref_squeeze %dma_wait3A_459 : memref<1x32xi32, #tpu.memory_space<vmem>> -> memref<32xi32, #tpu.memory_space<vmem>>
    %dma_wait3A_461 = arith.constant 0 : i32
    %dma_wait3A_462 = tpu.memref_slice %arg3[%dma_wait3A_461] : memref<1600000xf32, #tpu.memory_space<hbm>> -> memref<1600000xf32, #tpu.memory_space<hbm>>
    tpu.wait_indirect_dma semaphore(%arg8 : memref<!tpu.dma_semaphore, #tpu.memory_space<semaphore_mem>>) src(%dma_wait3A_462 : memref<1600000xf32, #tpu.memory_space<hbm>>) dst(%dma_wait3A_457 : memref<32xf32, #tpu.memory_space<vmem>>)
    %dma_wait3A_463 = arith.constant 1 : i32
    %dma_wait3A_464 = arith.constant 1 : i32
    %dma_wait3A_465 = arith.constant 0 : i32
    %dma_wait3A_466 = tpu.memref_slice %arg7[%dma_wait3A_464, %dma_wait3A_465] : memref<16x32xf32, #tpu.memory_space<vmem>> -> memref<1x32xf32, #tpu.memory_space<vmem>>
    %dma_wait3A_467 = tpu.memref_squeeze %dma_wait3A_466 : memref<1x32xf32, #tpu.memory_space<vmem>> -> memref<32xf32, #tpu.memory_space<vmem>>
    %dma_wait3A_468 = arith.constant 0 : i32
    %dma_wait3A_469 = tpu.memref_slice %arg6[%dma_wait3A_463, %dma_wait3A_468] : memref<16x32xi32, #tpu.memory_space<vmem>> -> memref<1x32xi32, #tpu.memory_space<vmem>>
    %dma_wait3A_470 = tpu.memref_squeeze %dma_wait3A_469 : memref<1x32xi32, #tpu.memory_space<vmem>> -> memref<32xi32, #tpu.memory_space<vmem>>
    %dma_wait3A_471 = arith.constant 0 : i32
    %dma_wait3A_472 = tpu.memref_slice %arg3[%dma_wait3A_471] : memref<1600000xf32, #tpu.memory_space<hbm>> -> memref<1600000xf32, #tpu.memory_space<hbm>>
    tpu.wait_indirect_dma semaphore(%arg8 : memref<!tpu.dma_semaphore, #tpu.memory_space<semaphore_mem>>) src(%dma_wait3A_472 : memref<1600000xf32, #tpu.memory_space<hbm>>) dst(%dma_wait3A_467 : memref<32xf32, #tpu.memory_space<vmem>>)
    %dma_wait3A_473 = arith.constant 2 : i32
    %dma_wait3A_474 = arith.constant 2 : i32
    %dma_wait3A_475 = arith.constant 0 : i32
    %dma_wait3A_476 = tpu.memref_slice %arg7[%dma_wait3A_474, %dma_wait3A_475] : memref<16x32xf32, #tpu.memory_space<vmem>> -> memref<1x32xf32, #tpu.memory_space<vmem>>
    %dma_wait3A_477 = tpu.memref_squeeze %dma_wait3A_476 : memref<1x32xf32, #tpu.memory_space<vmem>> -> memref<32xf32, #tpu.memory_space<vmem>>
    %dma_wait3A_478 = arith.constant 0 : i32
    %dma_wait3A_479 = tpu.memref_slice %arg6[%dma_wait3A_473, %dma_wait3A_478] : memref<16x32xi32, #tpu.memory_space<vmem>> -> memref<1x32xi32, #tpu.memory_space<vmem>>
    %dma_wait3A_480 = tpu.memref_squeeze %dma_wait3A_479 : memref<1x32xi32, #tpu.memory_space<vmem>> -> memref<32xi32, #tpu.memory_space<vmem>>
    %dma_wait3A_481 = arith.constant 0 : i32
    %dma_wait3A_482 = tpu.memref_slice %arg3[%dma_wait3A_481] : memref<1600000xf32, #tpu.memory_space<hbm>> -> memref<1600000xf32, #tpu.memory_space<hbm>>
    tpu.wait_indirect_dma semaphore(%arg8 : memref<!tpu.dma_semaphore, #tpu.memory_space<semaphore_mem>>) src(%dma_wait3A_482 : memref<1600000xf32, #tpu.memory_space<hbm>>) dst(%dma_wait3A_477 : memref<32xf32, #tpu.memory_space<vmem>>)
    %dma_wait3A_483 = arith.constant 3 : i32
    %dma_wait3A_484 = arith.constant 3 : i32
    %dma_wait3A_485 = arith.constant 0 : i32
    %dma_wait3A_486 = tpu.memref_slice %arg7[%dma_wait3A_484, %dma_wait3A_485] : memref<16x32xf32, #tpu.memory_space<vmem>> -> memref<1x32xf32, #tpu.memory_space<vmem>>
    %dma_wait3A_487 = tpu.memref_squeeze %dma_wait3A_486 : memref<1x32xf32, #tpu.memory_space<vmem>> -> memref<32xf32, #tpu.memory_space<vmem>>
    %dma_wait3A_488 = arith.constant 0 : i32
    %dma_wait3A_489 = tpu.memref_slice %arg6[%dma_wait3A_483, %dma_wait3A_488] : memref<16x32xi32, #tpu.memory_space<vmem>> -> memref<1x32xi32, #tpu.memory_space<vmem>>
    %dma_wait3A_490 = tpu.memref_squeeze %dma_wait3A_489 : memref<1x32xi32, #tpu.memory_space<vmem>> -> memref<32xi32, #tpu.memory_space<vmem>>
    %dma_wait3A_491 = arith.constant 0 : i32
    %dma_wait3A_492 = tpu.memref_slice %arg3[%dma_wait3A_491] : memref<1600000xf32, #tpu.memory_space<hbm>> -> memref<1600000xf32, #tpu.memory_space<hbm>>
    tpu.wait_indirect_dma semaphore(%arg8 : memref<!tpu.dma_semaphore, #tpu.memory_space<semaphore_mem>>) src(%dma_wait3A_492 : memref<1600000xf32, #tpu.memory_space<hbm>>) dst(%dma_wait3A_487 : memref<32xf32, #tpu.memory_space<vmem>>)
    %dma_wait3A_493 = arith.constant 4 : i32
    %dma_wait3A_494 = arith.constant 4 : i32
    %dma_wait3A_495 = arith.constant 0 : i32
    %dma_wait3A_496 = tpu.memref_slice %arg7[%dma_wait3A_494, %dma_wait3A_495] : memref<16x32xf32, #tpu.memory_space<vmem>> -> memref<1x32xf32, #tpu.memory_space<vmem>>
    %dma_wait3A_497 = tpu.memref_squeeze %dma_wait3A_496 : memref<1x32xf32, #tpu.memory_space<vmem>> -> memref<32xf32, #tpu.memory_space<vmem>>
    %dma_wait3A_498 = arith.constant 0 : i32
    %dma_wait3A_499 = tpu.memref_slice %arg6[%dma_wait3A_493, %dma_wait3A_498] : memref<16x32xi32, #tpu.memory_space<vmem>> -> memref<1x32xi32, #tpu.memory_space<vmem>>
    %dma_wait3A_500 = tpu.memref_squeeze %dma_wait3A_499 : memref<1x32xi32, #tpu.memory_space<vmem>> -> memref<32xi32, #tpu.memory_space<vmem>>
    %dma_wait3A_501 = arith.constant 0 : i32
    %dma_wait3A_502 = tpu.memref_slice %arg3[%dma_wait3A_501] : memref<1600000xf32, #tpu.memory_space<hbm>> -> memref<1600000xf32, #tpu.memory_space<hbm>>
    tpu.wait_indirect_dma semaphore(%arg8 : memref<!tpu.dma_semaphore, #tpu.memory_space<semaphore_mem>>) src(%dma_wait3A_502 : memref<1600000xf32, #tpu.memory_space<hbm>>) dst(%dma_wait3A_497 : memref<32xf32, #tpu.memory_space<vmem>>)
    %dma_wait3A_503 = arith.constant 5 : i32
    %dma_wait3A_504 = arith.constant 5 : i32
    %dma_wait3A_505 = arith.constant 0 : i32
    %dma_wait3A_506 = tpu.memref_slice %arg7[%dma_wait3A_504, %dma_wait3A_505] : memref<16x32xf32, #tpu.memory_space<vmem>> -> memref<1x32xf32, #tpu.memory_space<vmem>>
    %dma_wait3A_507 = tpu.memref_squeeze %dma_wait3A_506 : memref<1x32xf32, #tpu.memory_space<vmem>> -> memref<32xf32, #tpu.memory_space<vmem>>
    %dma_wait3A_508 = arith.constant 0 : i32
    %dma_wait3A_509 = tpu.memref_slice %arg6[%dma_wait3A_503, %dma_wait3A_508] : memref<16x32xi32, #tpu.memory_space<vmem>> -> memref<1x32xi32, #tpu.memory_space<vmem>>
    %dma_wait3A_510 = tpu.memref_squeeze %dma_wait3A_509 : memref<1x32xi32, #tpu.memory_space<vmem>> -> memref<32xi32, #tpu.memory_space<vmem>>
    %dma_wait3A_511 = arith.constant 0 : i32
    %dma_wait3A_512 = tpu.memref_slice %arg3[%dma_wait3A_511] : memref<1600000xf32, #tpu.memory_space<hbm>> -> memref<1600000xf32, #tpu.memory_space<hbm>>
    tpu.wait_indirect_dma semaphore(%arg8 : memref<!tpu.dma_semaphore, #tpu.memory_space<semaphore_mem>>) src(%dma_wait3A_512 : memref<1600000xf32, #tpu.memory_space<hbm>>) dst(%dma_wait3A_507 : memref<32xf32, #tpu.memory_space<vmem>>)
    %dma_wait3A_513 = arith.constant 6 : i32
    %dma_wait3A_514 = arith.constant 6 : i32
    %dma_wait3A_515 = arith.constant 0 : i32
    %dma_wait3A_516 = tpu.memref_slice %arg7[%dma_wait3A_514, %dma_wait3A_515] : memref<16x32xf32, #tpu.memory_space<vmem>> -> memref<1x32xf32, #tpu.memory_space<vmem>>
    %dma_wait3A_517 = tpu.memref_squeeze %dma_wait3A_516 : memref<1x32xf32, #tpu.memory_space<vmem>> -> memref<32xf32, #tpu.memory_space<vmem>>
    %dma_wait3A_518 = arith.constant 0 : i32
    %dma_wait3A_519 = tpu.memref_slice %arg6[%dma_wait3A_513, %dma_wait3A_518] : memref<16x32xi32, #tpu.memory_space<vmem>> -> memref<1x32xi32, #tpu.memory_space<vmem>>
    %dma_wait3A_520 = tpu.memref_squeeze %dma_wait3A_519 : memref<1x32xi32, #tpu.memory_space<vmem>> -> memref<32xi32, #tpu.memory_space<vmem>>
    %dma_wait3A_521 = arith.constant 0 : i32
    %dma_wait3A_522 = tpu.memref_slice %arg3[%dma_wait3A_521] : memref<1600000xf32, #tpu.memory_space<hbm>> -> memref<1600000xf32, #tpu.memory_space<hbm>>
    tpu.wait_indirect_dma semaphore(%arg8 : memref<!tpu.dma_semaphore, #tpu.memory_space<semaphore_mem>>) src(%dma_wait3A_522 : memref<1600000xf32, #tpu.memory_space<hbm>>) dst(%dma_wait3A_517 : memref<32xf32, #tpu.memory_space<vmem>>)
    %dma_wait3A_523 = arith.constant 7 : i32
    %dma_wait3A_524 = arith.constant 7 : i32
    %dma_wait3A_525 = arith.constant 0 : i32
    %dma_wait3A_526 = tpu.memref_slice %arg7[%dma_wait3A_524, %dma_wait3A_525] : memref<16x32xf32, #tpu.memory_space<vmem>> -> memref<1x32xf32, #tpu.memory_space<vmem>>
    %dma_wait3A_527 = tpu.memref_squeeze %dma_wait3A_526 : memref<1x32xf32, #tpu.memory_space<vmem>> -> memref<32xf32, #tpu.memory_space<vmem>>
    %dma_wait3A_528 = arith.constant 0 : i32
    %dma_wait3A_529 = tpu.memref_slice %arg6[%dma_wait3A_523, %dma_wait3A_528] : memref<16x32xi32, #tpu.memory_space<vmem>> -> memref<1x32xi32, #tpu.memory_space<vmem>>
    %dma_wait3A_530 = tpu.memref_squeeze %dma_wait3A_529 : memref<1x32xi32, #tpu.memory_space<vmem>> -> memref<32xi32, #tpu.memory_space<vmem>>
    %dma_wait3A_531 = arith.constant 0 : i32
    %dma_wait3A_532 = tpu.memref_slice %arg3[%dma_wait3A_531] : memref<1600000xf32, #tpu.memory_space<hbm>> -> memref<1600000xf32, #tpu.memory_space<hbm>>
    tpu.wait_indirect_dma semaphore(%arg8 : memref<!tpu.dma_semaphore, #tpu.memory_space<semaphore_mem>>) src(%dma_wait3A_532 : memref<1600000xf32, #tpu.memory_space<hbm>>) dst(%dma_wait3A_527 : memref<32xf32, #tpu.memory_space<vmem>>)
    %dma_wait3A_533 = arith.constant 8 : i32
    %dma_wait3A_534 = arith.constant 8 : i32
    %dma_wait3A_535 = arith.constant 0 : i32
    %dma_wait3A_536 = tpu.memref_slice %arg7[%dma_wait3A_534, %dma_wait3A_535] : memref<16x32xf32, #tpu.memory_space<vmem>> -> memref<1x32xf32, #tpu.memory_space<vmem>>
    %dma_wait3A_537 = tpu.memref_squeeze %dma_wait3A_536 : memref<1x32xf32, #tpu.memory_space<vmem>> -> memref<32xf32, #tpu.memory_space<vmem>>
    %dma_wait3A_538 = arith.constant 0 : i32
    %dma_wait3A_539 = tpu.memref_slice %arg6[%dma_wait3A_533, %dma_wait3A_538] : memref<16x32xi32, #tpu.memory_space<vmem>> -> memref<1x32xi32, #tpu.memory_space<vmem>>
    %dma_wait3A_540 = tpu.memref_squeeze %dma_wait3A_539 : memref<1x32xi32, #tpu.memory_space<vmem>> -> memref<32xi32, #tpu.memory_space<vmem>>
    %dma_wait3A_541 = arith.constant 0 : i32
    %dma_wait3A_542 = tpu.memref_slice %arg3[%dma_wait3A_541] : memref<1600000xf32, #tpu.memory_space<hbm>> -> memref<1600000xf32, #tpu.memory_space<hbm>>
    tpu.wait_indirect_dma semaphore(%arg8 : memref<!tpu.dma_semaphore, #tpu.memory_space<semaphore_mem>>) src(%dma_wait3A_542 : memref<1600000xf32, #tpu.memory_space<hbm>>) dst(%dma_wait3A_537 : memref<32xf32, #tpu.memory_space<vmem>>)
    %dma_wait3A_543 = arith.constant 9 : i32
    %dma_wait3A_544 = arith.constant 9 : i32
    %dma_wait3A_545 = arith.constant 0 : i32
    %dma_wait3A_546 = tpu.memref_slice %arg7[%dma_wait3A_544, %dma_wait3A_545] : memref<16x32xf32, #tpu.memory_space<vmem>> -> memref<1x32xf32, #tpu.memory_space<vmem>>
    %dma_wait3A_547 = tpu.memref_squeeze %dma_wait3A_546 : memref<1x32xf32, #tpu.memory_space<vmem>> -> memref<32xf32, #tpu.memory_space<vmem>>
    %dma_wait3A_548 = arith.constant 0 : i32
    %dma_wait3A_549 = tpu.memref_slice %arg6[%dma_wait3A_543, %dma_wait3A_548] : memref<16x32xi32, #tpu.memory_space<vmem>> -> memref<1x32xi32, #tpu.memory_space<vmem>>
    %dma_wait3A_550 = tpu.memref_squeeze %dma_wait3A_549 : memref<1x32xi32, #tpu.memory_space<vmem>> -> memref<32xi32, #tpu.memory_space<vmem>>
    %dma_wait3A_551 = arith.constant 0 : i32
    %dma_wait3A_552 = tpu.memref_slice %arg3[%dma_wait3A_551] : memref<1600000xf32, #tpu.memory_space<hbm>> -> memref<1600000xf32, #tpu.memory_space<hbm>>
    tpu.wait_indirect_dma semaphore(%arg8 : memref<!tpu.dma_semaphore, #tpu.memory_space<semaphore_mem>>) src(%dma_wait3A_552 : memref<1600000xf32, #tpu.memory_space<hbm>>) dst(%dma_wait3A_547 : memref<32xf32, #tpu.memory_space<vmem>>)
    %dma_wait3A_553 = arith.constant 10 : i32
    %dma_wait3A_554 = arith.constant 10 : i32
    %dma_wait3A_555 = arith.constant 0 : i32
    %dma_wait3A_556 = tpu.memref_slice %arg7[%dma_wait3A_554, %dma_wait3A_555] : memref<16x32xf32, #tpu.memory_space<vmem>> -> memref<1x32xf32, #tpu.memory_space<vmem>>
    %dma_wait3A_557 = tpu.memref_squeeze %dma_wait3A_556 : memref<1x32xf32, #tpu.memory_space<vmem>> -> memref<32xf32, #tpu.memory_space<vmem>>
    %dma_wait3A_558 = arith.constant 0 : i32
    %dma_wait3A_559 = tpu.memref_slice %arg6[%dma_wait3A_553, %dma_wait3A_558] : memref<16x32xi32, #tpu.memory_space<vmem>> -> memref<1x32xi32, #tpu.memory_space<vmem>>
    %dma_wait3A_560 = tpu.memref_squeeze %dma_wait3A_559 : memref<1x32xi32, #tpu.memory_space<vmem>> -> memref<32xi32, #tpu.memory_space<vmem>>
    %dma_wait3A_561 = arith.constant 0 : i32
    %dma_wait3A_562 = tpu.memref_slice %arg3[%dma_wait3A_561] : memref<1600000xf32, #tpu.memory_space<hbm>> -> memref<1600000xf32, #tpu.memory_space<hbm>>
    tpu.wait_indirect_dma semaphore(%arg8 : memref<!tpu.dma_semaphore, #tpu.memory_space<semaphore_mem>>) src(%dma_wait3A_562 : memref<1600000xf32, #tpu.memory_space<hbm>>) dst(%dma_wait3A_557 : memref<32xf32, #tpu.memory_space<vmem>>)
    %dma_wait3A_563 = arith.constant 11 : i32
    %dma_wait3A_564 = arith.constant 11 : i32
    %dma_wait3A_565 = arith.constant 0 : i32
    %dma_wait3A_566 = tpu.memref_slice %arg7[%dma_wait3A_564, %dma_wait3A_565] : memref<16x32xf32, #tpu.memory_space<vmem>> -> memref<1x32xf32, #tpu.memory_space<vmem>>
    %dma_wait3A_567 = tpu.memref_squeeze %dma_wait3A_566 : memref<1x32xf32, #tpu.memory_space<vmem>> -> memref<32xf32, #tpu.memory_space<vmem>>
    %dma_wait3A_568 = arith.constant 0 : i32
    %dma_wait3A_569 = tpu.memref_slice %arg6[%dma_wait3A_563, %dma_wait3A_568] : memref<16x32xi32, #tpu.memory_space<vmem>> -> memref<1x32xi32, #tpu.memory_space<vmem>>
    %dma_wait3A_570 = tpu.memref_squeeze %dma_wait3A_569 : memref<1x32xi32, #tpu.memory_space<vmem>> -> memref<32xi32, #tpu.memory_space<vmem>>
    %dma_wait3A_571 = arith.constant 0 : i32
    %dma_wait3A_572 = tpu.memref_slice %arg3[%dma_wait3A_571] : memref<1600000xf32, #tpu.memory_space<hbm>> -> memref<1600000xf32, #tpu.memory_space<hbm>>
    tpu.wait_indirect_dma semaphore(%arg8 : memref<!tpu.dma_semaphore, #tpu.memory_space<semaphore_mem>>) src(%dma_wait3A_572 : memref<1600000xf32, #tpu.memory_space<hbm>>) dst(%dma_wait3A_567 : memref<32xf32, #tpu.memory_space<vmem>>)
    %dma_wait3A_573 = arith.constant 12 : i32
    %dma_wait3A_574 = arith.constant 12 : i32
    %dma_wait3A_575 = arith.constant 0 : i32
    %dma_wait3A_576 = tpu.memref_slice %arg7[%dma_wait3A_574, %dma_wait3A_575] : memref<16x32xf32, #tpu.memory_space<vmem>> -> memref<1x32xf32, #tpu.memory_space<vmem>>
    %dma_wait3A_577 = tpu.memref_squeeze %dma_wait3A_576 : memref<1x32xf32, #tpu.memory_space<vmem>> -> memref<32xf32, #tpu.memory_space<vmem>>
    %dma_wait3A_578 = arith.constant 0 : i32
    %dma_wait3A_579 = tpu.memref_slice %arg6[%dma_wait3A_573, %dma_wait3A_578] : memref<16x32xi32, #tpu.memory_space<vmem>> -> memref<1x32xi32, #tpu.memory_space<vmem>>
    %dma_wait3A_580 = tpu.memref_squeeze %dma_wait3A_579 : memref<1x32xi32, #tpu.memory_space<vmem>> -> memref<32xi32, #tpu.memory_space<vmem>>
    %dma_wait3A_581 = arith.constant 0 : i32
    %dma_wait3A_582 = tpu.memref_slice %arg3[%dma_wait3A_581] : memref<1600000xf32, #tpu.memory_space<hbm>> -> memref<1600000xf32, #tpu.memory_space<hbm>>
    tpu.wait_indirect_dma semaphore(%arg8 : memref<!tpu.dma_semaphore, #tpu.memory_space<semaphore_mem>>) src(%dma_wait3A_582 : memref<1600000xf32, #tpu.memory_space<hbm>>) dst(%dma_wait3A_577 : memref<32xf32, #tpu.memory_space<vmem>>)
    %dma_wait3A_583 = arith.constant 13 : i32
    %dma_wait3A_584 = arith.constant 13 : i32
    %dma_wait3A_585 = arith.constant 0 : i32
    %dma_wait3A_586 = tpu.memref_slice %arg7[%dma_wait3A_584, %dma_wait3A_585] : memref<16x32xf32, #tpu.memory_space<vmem>> -> memref<1x32xf32, #tpu.memory_space<vmem>>
    %dma_wait3A_587 = tpu.memref_squeeze %dma_wait3A_586 : memref<1x32xf32, #tpu.memory_space<vmem>> -> memref<32xf32, #tpu.memory_space<vmem>>
    %dma_wait3A_588 = arith.constant 0 : i32
    %dma_wait3A_589 = tpu.memref_slice %arg6[%dma_wait3A_583, %dma_wait3A_588] : memref<16x32xi32, #tpu.memory_space<vmem>> -> memref<1x32xi32, #tpu.memory_space<vmem>>
    %dma_wait3A_590 = tpu.memref_squeeze %dma_wait3A_589 : memref<1x32xi32, #tpu.memory_space<vmem>> -> memref<32xi32, #tpu.memory_space<vmem>>
    %dma_wait3A_591 = arith.constant 0 : i32
    %dma_wait3A_592 = tpu.memref_slice %arg3[%dma_wait3A_591] : memref<1600000xf32, #tpu.memory_space<hbm>> -> memref<1600000xf32, #tpu.memory_space<hbm>>
    tpu.wait_indirect_dma semaphore(%arg8 : memref<!tpu.dma_semaphore, #tpu.memory_space<semaphore_mem>>) src(%dma_wait3A_592 : memref<1600000xf32, #tpu.memory_space<hbm>>) dst(%dma_wait3A_587 : memref<32xf32, #tpu.memory_space<vmem>>)
    %dma_wait3A_593 = arith.constant 14 : i32
    %dma_wait3A_594 = arith.constant 14 : i32
    %dma_wait3A_595 = arith.constant 0 : i32
    %dma_wait3A_596 = tpu.memref_slice %arg7[%dma_wait3A_594, %dma_wait3A_595] : memref<16x32xf32, #tpu.memory_space<vmem>> -> memref<1x32xf32, #tpu.memory_space<vmem>>
    %dma_wait3A_597 = tpu.memref_squeeze %dma_wait3A_596 : memref<1x32xf32, #tpu.memory_space<vmem>> -> memref<32xf32, #tpu.memory_space<vmem>>
    %dma_wait3A_598 = arith.constant 0 : i32
    %dma_wait3A_599 = tpu.memref_slice %arg6[%dma_wait3A_593, %dma_wait3A_598] : memref<16x32xi32, #tpu.memory_space<vmem>> -> memref<1x32xi32, #tpu.memory_space<vmem>>
    %dma_wait3A_600 = tpu.memref_squeeze %dma_wait3A_599 : memref<1x32xi32, #tpu.memory_space<vmem>> -> memref<32xi32, #tpu.memory_space<vmem>>
    %dma_wait3A_601 = arith.constant 0 : i32
    %dma_wait3A_602 = tpu.memref_slice %arg3[%dma_wait3A_601] : memref<1600000xf32, #tpu.memory_space<hbm>> -> memref<1600000xf32, #tpu.memory_space<hbm>>
    tpu.wait_indirect_dma semaphore(%arg8 : memref<!tpu.dma_semaphore, #tpu.memory_space<semaphore_mem>>) src(%dma_wait3A_602 : memref<1600000xf32, #tpu.memory_space<hbm>>) dst(%dma_wait3A_597 : memref<32xf32, #tpu.memory_space<vmem>>)
    %dma_wait3A_603 = arith.constant 15 : i32
    %dma_wait3A_604 = arith.constant 15 : i32
    %dma_wait3A_605 = arith.constant 0 : i32
    %dma_wait3A_606 = tpu.memref_slice %arg7[%dma_wait3A_604, %dma_wait3A_605] : memref<16x32xf32, #tpu.memory_space<vmem>> -> memref<1x32xf32, #tpu.memory_space<vmem>>
    %dma_wait3A_607 = tpu.memref_squeeze %dma_wait3A_606 : memref<1x32xf32, #tpu.memory_space<vmem>> -> memref<32xf32, #tpu.memory_space<vmem>>
    %dma_wait3A_608 = arith.constant 0 : i32
    %dma_wait3A_609 = tpu.memref_slice %arg6[%dma_wait3A_603, %dma_wait3A_608] : memref<16x32xi32, #tpu.memory_space<vmem>> -> memref<1x32xi32, #tpu.memory_space<vmem>>
    %dma_wait3A_610 = tpu.memref_squeeze %dma_wait3A_609 : memref<1x32xi32, #tpu.memory_space<vmem>> -> memref<32xi32, #tpu.memory_space<vmem>>
    %dma_wait3A_611 = arith.constant 0 : i32
    %dma_wait3A_612 = tpu.memref_slice %arg3[%dma_wait3A_611] : memref<1600000xf32, #tpu.memory_space<hbm>> -> memref<1600000xf32, #tpu.memory_space<hbm>>
    tpu.wait_indirect_dma semaphore(%arg8 : memref<!tpu.dma_semaphore, #tpu.memory_space<semaphore_mem>>) src(%dma_wait3A_612 : memref<1600000xf32, #tpu.memory_space<hbm>>) dst(%dma_wait3A_607 : memref<32xf32, #tpu.memory_space<vmem>>)
    "tpu.region"() ({
      %run_scoped3A = tpu.sem_alloc : memref<!tpu.dma_semaphore, #tpu.memory_space<semaphore_mem>>
      %dma_start3A_613 = arith.constant 0 : i32
      %dma_start3A_614 = tpu.memref_slice %arg4[%dma_start3A_613, %mul3A_2] : memref<16x1024xf32, #tpu.memory_space<hbm>> -> memref<16x32xf32, #tpu.memory_space<hbm>>
      %dma_start3A_615 = arith.constant 0 : i32
      %dma_start3A_616 = tpu.memref_slice %arg4[%dma_start3A_615, %mul3A_2] : memref<16x1024xf32, #tpu.memory_space<hbm>> -> memref<16x32xf32, #tpu.memory_space<hbm>>
      tpu.enqueue_dma source(%arg7 : memref<16x32xf32, #tpu.memory_space<vmem>>) target(%dma_start3A_616 : memref<16x32xf32, #tpu.memory_space<hbm>>) target_semaphore(%run_scoped3A : memref<!tpu.dma_semaphore, #tpu.memory_space<semaphore_mem>>)
      %dma_wait3A_617 = arith.constant 0 : i32
      %dma_wait3A_618 = tpu.memref_slice %arg4[%dma_wait3A_617, %mul3A_2] : memref<16x1024xf32, #tpu.memory_space<hbm>> -> memref<16x32xf32, #tpu.memory_space<hbm>>
      %dma_wait3A_619 = arith.constant 0 : i32
      %dma_wait3A_620 = tpu.memref_slice %arg4[%dma_wait3A_619, %mul3A_2] : memref<16x1024xf32, #tpu.memory_space<hbm>> -> memref<16x32xf32, #tpu.memory_space<hbm>>
      tpu.wait_dma2 semaphore(%run_scoped3A : memref<!tpu.dma_semaphore, #tpu.memory_space<semaphore_mem>>) src(%arg7 : memref<16x32xf32, #tpu.memory_space<vmem>>) dst(%dma_wait3A_620 : memref<16x32xf32, #tpu.memory_space<hbm>>)
      tpu.yield
    }) : () -> ()
    return
  }
}

module attributes {stable_mosaic.version = 14 : i64} {
  func.func @_proj_body(%arg0: i32, %arg1: memref<16x1024xf32, #tpu.memory_space<vmem>>, %arg2: memref<16x7168xf32, #tpu.memory_space<vmem>>, %arg3: memref<1x7168xf32, #tpu.memory_space<vmem>>, %arg4: memref<100000x1024xf32, #tpu.memory_space<any>>, %arg5: memref<512x1024xf32, #tpu.memory_space<vmem>>, %arg6: memref<512x1024xf32, #tpu.memory_space<vmem>>, %arg7: memref<512x1024xf32, #tpu.memory_space<vmem>>, %arg8: memref<512x1024xf32, #tpu.memory_space<vmem>>, %arg9: memref<512x1024xf32, #tpu.memory_space<vmem>>, %arg10: memref<512x1024xf32, #tpu.memory_space<vmem>>, %arg11: memref<512x1024xf32, #tpu.memory_space<vmem>>, %arg12: memref<512x1024xf32, #tpu.memory_space<vmem>>, %arg13: memref<512x1024xf32, #tpu.memory_space<vmem>>, %arg14: memref<512x1024xf32, #tpu.memory_space<vmem>>, %arg15: memref<512x1024xf32, #tpu.memory_space<vmem>>, %arg16: memref<512x1024xf32, #tpu.memory_space<vmem>>, %arg17: memref<512x1024xf32, #tpu.memory_space<vmem>>, %arg18: memref<512x1024xf32, #tpu.memory_space<vmem>>, %arg19: memref<24x1024xf32, #tpu.memory_space<vmem>>, %arg20: memref<24x512xf32, #tpu.memory_space<vmem>>, %arg21: memref<14x!tpu.dma_semaphore, #tpu.memory_space<semaphore_mem>>) attributes {dimension_semantics = [#tpu.dimension_semantics<arbitrary>], iteration_bounds = array<i64: 14>, scalar_prefetch = 0 : i64, scratch_operands = 17 : i64, tpu.core_type = #tpu.core_type<tc>, window_params = [{pipeline_mode = #tpu.pipeline_mode<synchronous>, transform_indices = @transform_0, window_bounds = array<i64: 16, 1024>}, {transform_indices = @transform_1, window_bounds = array<i64: 16, 7168>}, {transform_indices = @transform_2, window_bounds = array<i64: 1, 7168>}, {}]} {
    %eq3A = arith.constant 0 : i32
    %eq3A_0 = arith.cmpi eq, %arg0, %eq3A : i32
    %convert_element_type3A = arith.extui %eq3A_0 : i1 to i32
    %cond3A = arith.constant 0 : i32
    %cond3A_1 = arith.cmpi ne, %convert_element_type3A, %cond3A : i32
    scf.if %cond3A_1 {
      %get3A_587 = arith.constant 0 : index
      %get3A_588 = arith.constant 0 : index
      %get3A_589 = vector.load %arg1[%get3A_587, %get3A_588] : memref<16x1024xf32, #tpu.memory_space<vmem>>, vector<16x1024xf32>
      %swap3A_590 = arith.constant 0 : index
      %swap3A_591 = arith.constant 0 : index
      %swap3A_592 = vector.load %arg19[%swap3A_590, %swap3A_591] : memref<24x1024xf32, #tpu.memory_space<vmem>>, vector<16x1024xf32>
      tpu.vector_store %arg19[%swap3A_590, %swap3A_591], %get3A_589 {strides = array<i32>} : memref<24x1024xf32, #tpu.memory_space<vmem>>, vector<16x1024xf32>,
      %broadcast_in_dim3A = arith.constant 1.000000e+00 : f32
      %broadcast_in_dim3A_593 = vector.broadcast %broadcast_in_dim3A : f32 to vector<1x1024xf32>
      %swap3A_594 = arith.constant 16 : index
      %swap3A_595 = arith.constant 0 : index
      %swap3A_596 = vector.load %arg19[%swap3A_594, %swap3A_595] : memref<24x1024xf32, #tpu.memory_space<vmem>>, vector<1x1024xf32>
      tpu.vector_store %arg19[%swap3A_594, %swap3A_595], %broadcast_in_dim3A_593 {strides = array<i32>} : memref<24x1024xf32, #tpu.memory_space<vmem>>, vector<1x1024xf32>,
      %broadcast_in_dim3A_597 = arith.constant 0.000000e+00 : f32
      %broadcast_in_dim3A_598 = vector.broadcast %broadcast_in_dim3A_597 : f32 to vector<7x1024xf32>
      %swap3A_599 = arith.constant 17 : index
      %swap3A_600 = arith.constant 0 : index
      %swap3A_601 = vector.load %arg19[%swap3A_599, %swap3A_600] : memref<24x1024xf32, #tpu.memory_space<vmem>>, vector<7x1024xf32>
      tpu.vector_store %arg19[%swap3A_599, %swap3A_600], %broadcast_in_dim3A_598 {strides = array<i32>} : memref<24x1024xf32, #tpu.memory_space<vmem>>, vector<7x1024xf32>,
      %broadcast_in_dim3A_602 = arith.constant 0.000000e+00 : f32
      %broadcast_in_dim3A_603 = vector.broadcast %broadcast_in_dim3A_602 : f32 to vector<7x512xf32>
      %swap3A_604 = arith.constant 17 : index
      %swap3A_605 = arith.constant 0 : index
      %swap3A_606 = vector.load %arg20[%swap3A_604, %swap3A_605] : memref<24x512xf32, #tpu.memory_space<vmem>>, vector<7x512xf32>
      tpu.vector_store %arg20[%swap3A_604, %swap3A_605], %broadcast_in_dim3A_603 {strides = array<i32>} : memref<24x512xf32, #tpu.memory_space<vmem>>, vector<7x512xf32>,
    } else {
    }
    %mul3A = arith.constant 14 : i32
    %mul3A_2 = arith.muli %arg0, %mul3A : i32
    %add3A = arith.constant 0 : i32
    %add3A_3 = arith.addi %mul3A_2, %add3A : i32
    %gt3A = arith.constant 0 : i32
    %gt3A_4 = arith.cmpi sgt, %arg0, %gt3A : i32
    %convert_element_type3A_5 = arith.extui %gt3A_4 : i1 to i32
    %cond3A_6 = arith.constant 0 : i32
    %cond3A_7 = arith.cmpi ne, %convert_element_type3A_5, %cond3A_6 : i32
    scf.if %cond3A_7 {
      %sub3A = arith.constant 1 : i32
      %sub3A_587 = arith.subi %arg0, %sub3A : i32
      %mul3A_588 = arith.constant 14 : i32
      %mul3A_589 = arith.muli %sub3A_587, %mul3A_588 : i32
      %add3A_590 = arith.constant 0 : i32
      %add3A_591 = arith.addi %mul3A_589, %add3A_590 : i32
      %mul3A_592 = arith.constant 512 : i32
      %mul3A_593 = arith.muli %add3A_591, %mul3A_592 : i32
      %dma_wait3A = arith.constant 0 : i32
      %dma_wait3A_594 = tpu.memref_slice %arg21[%dma_wait3A] : memref<14x!tpu.dma_semaphore, #tpu.memory_space<semaphore_mem>> -> memref<1x!tpu.dma_semaphore, #tpu.memory_space<semaphore_mem>>
      %dma_wait3A_595 = tpu.memref_squeeze %dma_wait3A_594 : memref<1x!tpu.dma_semaphore, #tpu.memory_space<semaphore_mem>> -> memref<!tpu.dma_semaphore, #tpu.memory_space<semaphore_mem>>
      %dma_wait3A_596 = arith.constant 0 : i32
      %dma_wait3A_597 = tpu.memref_slice %arg4[%mul3A_593, %dma_wait3A_596] : memref<100000x1024xf32, #tpu.memory_space<any>> -> memref<512x1024xf32, #tpu.memory_space<any>>
      tpu.wait_dma2 semaphore(%dma_wait3A_595 : memref<!tpu.dma_semaphore, #tpu.memory_space<semaphore_mem>>) src(%arg5 : memref<512x1024xf32, #tpu.memory_space<vmem>>) dst(%dma_wait3A_597 : memref<512x1024xf32, #tpu.memory_space<any>>)
    } else {
    }
    %get3A = arith.constant 0 : index
    %get3A_8 = arith.constant 0 : index
    %get3A_9 = vector.load %arg2[%get3A, %get3A_8] : memref<16x7168xf32, #tpu.memory_space<vmem>>, vector<16x512xf32>
    %swap3A = arith.constant 0 : index
    %swap3A_10 = arith.constant 0 : index
    %swap3A_11 = vector.load %arg20[%swap3A, %swap3A_10] : memref<24x512xf32, #tpu.memory_space<vmem>>, vector<16x512xf32>
    tpu.vector_store %arg20[%swap3A, %swap3A_10], %get3A_9 {strides = array<i32>} : memref<24x512xf32, #tpu.memory_space<vmem>>, vector<16x512xf32>,
    %get3A_12 = arith.constant 0 : index
    %get3A_13 = arith.constant 0 : index
    %get3A_14 = vector.load %arg3[%get3A_12, %get3A_13] : memref<1x7168xf32, #tpu.memory_space<vmem>>, vector<1x512xf32>
    %swap3A_15 = arith.constant 16 : index
    %swap3A_16 = arith.constant 0 : index
    %swap3A_17 = vector.load %arg20[%swap3A_15, %swap3A_16] : memref<24x512xf32, #tpu.memory_space<vmem>>, vector<1x512xf32>
    tpu.vector_store %arg20[%swap3A_15, %swap3A_16], %get3A_14 {strides = array<i32>} : memref<24x512xf32, #tpu.memory_space<vmem>>, vector<1x512xf32>,
    %get3A_18 = arith.constant 0 : index
    %get3A_19 = arith.constant 0 : index
    %get3A_20 = vector.load %arg20[%get3A_18, %get3A_19] : memref<24x512xf32, #tpu.memory_space<vmem>>, vector<24x512xf32>
    %get3A_21 = arith.constant 0 : index
    %get3A_22 = arith.constant 0 : index
    %get3A_23 = vector.load %arg19[%get3A_21, %get3A_22] : memref<24x1024xf32, #tpu.memory_space<vmem>>, vector<24x1024xf32>
    %dot_general3A = arith.constant dense<0.000000e+00> : vector<512x1024xf32>
    %dot_general3A_24 = tpu.matmul %get3A_20, %get3A_23, %dot_general3A {dimension_numbers = #tpu.dot_dimension_numbers<[0], [0], [1], [1], [0, 1, 1, 1], [], []>, transpose_lhs_hint = false} : vector<24x512xf32>, vector<24x1024xf32>, vector<512x1024xf32> -> vector<512x1024xf32>
    %swap3A_25 = arith.constant 0 : index
    %swap3A_26 = arith.constant 0 : index
    %swap3A_27 = vector.load %arg5[%swap3A_25, %swap3A_26] : memref<512x1024xf32, #tpu.memory_space<vmem>>, vector<512x1024xf32>
    tpu.vector_store %arg5[%swap3A_25, %swap3A_26], %dot_general3A_24 {strides = array<i32>} : memref<512x1024xf32, #tpu.memory_space<vmem>>, vector<512x1024xf32>,
    %mul3A_28 = arith.constant 512 : i32
    %mul3A_29 = arith.muli %add3A_3, %mul3A_28 : i32
    %dma_start3A = arith.constant 0 : i32
    %dma_start3A_30 = tpu.memref_slice %arg21[%dma_start3A] : memref<14x!tpu.dma_semaphore, #tpu.memory_space<semaphore_mem>> -> memref<1x!tpu.dma_semaphore, #tpu.memory_space<semaphore_mem>>
    %dma_start3A_31 = tpu.memref_squeeze %dma_start3A_30 : memref<1x!tpu.dma_semaphore, #tpu.memory_space<semaphore_mem>> -> memref<!tpu.dma_semaphore, #tpu.memory_space<semaphore_mem>>
    %dma_start3A_32 = arith.constant 0 : i32
    %dma_start3A_33 = tpu.memref_slice %arg4[%mul3A_29, %dma_start3A_32] : memref<100000x1024xf32, #tpu.memory_space<any>> -> memref<512x1024xf32, #tpu.memory_space<any>>
    %dma_start3A_34 = arith.constant 0 : i32
    %dma_start3A_35 = arith.constant 0 : i32
    %dma_start3A_36 = tpu.memref_slice %arg5[%dma_start3A_34, %dma_start3A_35] : memref<512x1024xf32, #tpu.memory_space<vmem>> -> memref<512x1024xf32, #tpu.memory_space<vmem>>
    tpu.enqueue_dma source(%dma_start3A_36 : memref<512x1024xf32, #tpu.memory_space<vmem>>) target(%dma_start3A_33 : memref<512x1024xf32, #tpu.memory_space<any>>) target_semaphore(%dma_start3A_31 : memref<!tpu.dma_semaphore, #tpu.memory_space<semaphore_mem>>)
    %mul3A_37 = arith.constant 14 : i32
    %mul3A_38 = arith.muli %arg0, %mul3A_37 : i32
    %add3A_39 = arith.constant 1 : i32
    %add3A_40 = arith.addi %mul3A_38, %add3A_39 : i32
    %gt3A_41 = arith.constant 0 : i32
    %gt3A_42 = arith.cmpi sgt, %arg0, %gt3A_41 : i32
    %convert_element_type3A_43 = arith.extui %gt3A_42 : i1 to i32
    %cond3A_44 = arith.constant 0 : i32
    %cond3A_45 = arith.cmpi ne, %convert_element_type3A_43, %cond3A_44 : i32
    scf.if %cond3A_45 {
      %sub3A = arith.constant 1 : i32
      %sub3A_587 = arith.subi %arg0, %sub3A : i32
      %mul3A_588 = arith.constant 14 : i32
      %mul3A_589 = arith.muli %sub3A_587, %mul3A_588 : i32
      %add3A_590 = arith.constant 1 : i32
      %add3A_591 = arith.addi %mul3A_589, %add3A_590 : i32
      %mul3A_592 = arith.constant 512 : i32
      %mul3A_593 = arith.muli %add3A_591, %mul3A_592 : i32
      %dma_wait3A = arith.constant 1 : i32
      %dma_wait3A_594 = tpu.memref_slice %arg21[%dma_wait3A] : memref<14x!tpu.dma_semaphore, #tpu.memory_space<semaphore_mem>> -> memref<1x!tpu.dma_semaphore, #tpu.memory_space<semaphore_mem>>
      %dma_wait3A_595 = tpu.memref_squeeze %dma_wait3A_594 : memref<1x!tpu.dma_semaphore, #tpu.memory_space<semaphore_mem>> -> memref<!tpu.dma_semaphore, #tpu.memory_space<semaphore_mem>>
      %dma_wait3A_596 = arith.constant 0 : i32
      %dma_wait3A_597 = tpu.memref_slice %arg4[%mul3A_593, %dma_wait3A_596] : memref<100000x1024xf32, #tpu.memory_space<any>> -> memref<512x1024xf32, #tpu.memory_space<any>>
      tpu.wait_dma2 semaphore(%dma_wait3A_595 : memref<!tpu.dma_semaphore, #tpu.memory_space<semaphore_mem>>) src(%arg6 : memref<512x1024xf32, #tpu.memory_space<vmem>>) dst(%dma_wait3A_597 : memref<512x1024xf32, #tpu.memory_space<any>>)
    } else {
    }
    %get3A_46 = arith.constant 0 : index
    %get3A_47 = arith.constant 512 : index
    %get3A_48 = vector.load %arg2[%get3A_46, %get3A_47] : memref<16x7168xf32, #tpu.memory_space<vmem>>, vector<16x512xf32>
    %swap3A_49 = arith.constant 0 : index
    %swap3A_50 = arith.constant 0 : index
    %swap3A_51 = vector.load %arg20[%swap3A_49, %swap3A_50] : memref<24x512xf32, #tpu.memory_space<vmem>>, vector<16x512xf32>
    tpu.vector_store %arg20[%swap3A_49, %swap3A_50], %get3A_48 {strides = array<i32>} : memref<24x512xf32, #tpu.memory_space<vmem>>, vector<16x512xf32>,
    %get3A_52 = arith.constant 0 : index
    %get3A_53 = arith.constant 512 : index
    %get3A_54 = vector.load %arg3[%get3A_52, %get3A_53] : memref<1x7168xf32, #tpu.memory_space<vmem>>, vector<1x512xf32>
    %swap3A_55 = arith.constant 16 : index
    %swap3A_56 = arith.constant 0 : index
    %swap3A_57 = vector.load %arg20[%swap3A_55, %swap3A_56] : memref<24x512xf32, #tpu.memory_space<vmem>>, vector<1x512xf32>
    tpu.vector_store %arg20[%swap3A_55, %swap3A_56], %get3A_54 {strides = array<i32>} : memref<24x512xf32, #tpu.memory_space<vmem>>, vector<1x512xf32>,
    %get3A_58 = arith.constant 0 : index
    %get3A_59 = arith.constant 0 : index
    %get3A_60 = vector.load %arg20[%get3A_58, %get3A_59] : memref<24x512xf32, #tpu.memory_space<vmem>>, vector<24x512xf32>
    %get3A_61 = arith.constant 0 : index
    %get3A_62 = arith.constant 0 : index
    %get3A_63 = vector.load %arg19[%get3A_61, %get3A_62] : memref<24x1024xf32, #tpu.memory_space<vmem>>, vector<24x1024xf32>
    %dot_general3A_64 = arith.constant dense<0.000000e+00> : vector<512x1024xf32>
    %dot_general3A_65 = tpu.matmul %get3A_60, %get3A_63, %dot_general3A_64 {dimension_numbers = #tpu.dot_dimension_numbers<[0], [0], [1], [1], [0, 1, 1, 1], [], []>, transpose_lhs_hint = false} : vector<24x512xf32>, vector<24x1024xf32>, vector<512x1024xf32> -> vector<512x1024xf32>
    %swap3A_66 = arith.constant 0 : index
    %swap3A_67 = arith.constant 0 : index
    %swap3A_68 = vector.load %arg6[%swap3A_66, %swap3A_67] : memref<512x1024xf32, #tpu.memory_space<vmem>>, vector<512x1024xf32>
    tpu.vector_store %arg6[%swap3A_66, %swap3A_67], %dot_general3A_65 {strides = array<i32>} : memref<512x1024xf32, #tpu.memory_space<vmem>>, vector<512x1024xf32>,
    %mul3A_69 = arith.constant 512 : i32
    %mul3A_70 = arith.muli %add3A_40, %mul3A_69 : i32
    %dma_start3A_71 = arith.constant 1 : i32
    %dma_start3A_72 = tpu.memref_slice %arg21[%dma_start3A_71] : memref<14x!tpu.dma_semaphore, #tpu.memory_space<semaphore_mem>> -> memref<1x!tpu.dma_semaphore, #tpu.memory_space<semaphore_mem>>
    %dma_start3A_73 = tpu.memref_squeeze %dma_start3A_72 : memref<1x!tpu.dma_semaphore, #tpu.memory_space<semaphore_mem>> -> memref<!tpu.dma_semaphore, #tpu.memory_space<semaphore_mem>>
    %dma_start3A_74 = arith.constant 0 : i32
    %dma_start3A_75 = tpu.memref_slice %arg4[%mul3A_70, %dma_start3A_74] : memref<100000x1024xf32, #tpu.memory_space<any>> -> memref<512x1024xf32, #tpu.memory_space<any>>
    %dma_start3A_76 = arith.constant 0 : i32
    %dma_start3A_77 = arith.constant 0 : i32
    %dma_start3A_78 = tpu.memref_slice %arg6[%dma_start3A_76, %dma_start3A_77] : memref<512x1024xf32, #tpu.memory_space<vmem>> -> memref<512x1024xf32, #tpu.memory_space<vmem>>
    tpu.enqueue_dma source(%dma_start3A_78 : memref<512x1024xf32, #tpu.memory_space<vmem>>) target(%dma_start3A_75 : memref<512x1024xf32, #tpu.memory_space<any>>) target_semaphore(%dma_start3A_73 : memref<!tpu.dma_semaphore, #tpu.memory_space<semaphore_mem>>)
    %mul3A_79 = arith.constant 14 : i32
    %mul3A_80 = arith.muli %arg0, %mul3A_79 : i32
    %add3A_81 = arith.constant 2 : i32
    %add3A_82 = arith.addi %mul3A_80, %add3A_81 : i32
    %gt3A_83 = arith.constant 0 : i32
    %gt3A_84 = arith.cmpi sgt, %arg0, %gt3A_83 : i32
    %convert_element_type3A_85 = arith.extui %gt3A_84 : i1 to i32
    %cond3A_86 = arith.constant 0 : i32
    %cond3A_87 = arith.cmpi ne, %convert_element_type3A_85, %cond3A_86 : i32
    scf.if %cond3A_87 {
      %sub3A = arith.constant 1 : i32
      %sub3A_587 = arith.subi %arg0, %sub3A : i32
      %mul3A_588 = arith.constant 14 : i32
      %mul3A_589 = arith.muli %sub3A_587, %mul3A_588 : i32
      %add3A_590 = arith.constant 2 : i32
      %add3A_591 = arith.addi %mul3A_589, %add3A_590 : i32
      %mul3A_592 = arith.constant 512 : i32
      %mul3A_593 = arith.muli %add3A_591, %mul3A_592 : i32
      %dma_wait3A = arith.constant 2 : i32
      %dma_wait3A_594 = tpu.memref_slice %arg21[%dma_wait3A] : memref<14x!tpu.dma_semaphore, #tpu.memory_space<semaphore_mem>> -> memref<1x!tpu.dma_semaphore, #tpu.memory_space<semaphore_mem>>
      %dma_wait3A_595 = tpu.memref_squeeze %dma_wait3A_594 : memref<1x!tpu.dma_semaphore, #tpu.memory_space<semaphore_mem>> -> memref<!tpu.dma_semaphore, #tpu.memory_space<semaphore_mem>>
      %dma_wait3A_596 = arith.constant 0 : i32
      %dma_wait3A_597 = tpu.memref_slice %arg4[%mul3A_593, %dma_wait3A_596] : memref<100000x1024xf32, #tpu.memory_space<any>> -> memref<512x1024xf32, #tpu.memory_space<any>>
      tpu.wait_dma2 semaphore(%dma_wait3A_595 : memref<!tpu.dma_semaphore, #tpu.memory_space<semaphore_mem>>) src(%arg7 : memref<512x1024xf32, #tpu.memory_space<vmem>>) dst(%dma_wait3A_597 : memref<512x1024xf32, #tpu.memory_space<any>>)
    } else {
    }
    %get3A_88 = arith.constant 0 : index
    %get3A_89 = arith.constant 1024 : index
    %get3A_90 = vector.load %arg2[%get3A_88, %get3A_89] : memref<16x7168xf32, #tpu.memory_space<vmem>>, vector<16x512xf32>
    %swap3A_91 = arith.constant 0 : index
    %swap3A_92 = arith.constant 0 : index
    %swap3A_93 = vector.load %arg20[%swap3A_91, %swap3A_92] : memref<24x512xf32, #tpu.memory_space<vmem>>, vector<16x512xf32>
    tpu.vector_store %arg20[%swap3A_91, %swap3A_92], %get3A_90 {strides = array<i32>} : memref<24x512xf32, #tpu.memory_space<vmem>>, vector<16x512xf32>,
    %get3A_94 = arith.constant 0 : index
    %get3A_95 = arith.constant 1024 : index
    %get3A_96 = vector.load %arg3[%get3A_94, %get3A_95] : memref<1x7168xf32, #tpu.memory_space<vmem>>, vector<1x512xf32>
    %swap3A_97 = arith.constant 16 : index
    %swap3A_98 = arith.constant 0 : index
    %swap3A_99 = vector.load %arg20[%swap3A_97, %swap3A_98] : memref<24x512xf32, #tpu.memory_space<vmem>>, vector<1x512xf32>
    tpu.vector_store %arg20[%swap3A_97, %swap3A_98], %get3A_96 {strides = array<i32>} : memref<24x512xf32, #tpu.memory_space<vmem>>, vector<1x512xf32>,
    %get3A_100 = arith.constant 0 : index
    %get3A_101 = arith.constant 0 : index
    %get3A_102 = vector.load %arg20[%get3A_100, %get3A_101] : memref<24x512xf32, #tpu.memory_space<vmem>>, vector<24x512xf32>
    %get3A_103 = arith.constant 0 : index
    %get3A_104 = arith.constant 0 : index
    %get3A_105 = vector.load %arg19[%get3A_103, %get3A_104] : memref<24x1024xf32, #tpu.memory_space<vmem>>, vector<24x1024xf32>
    %dot_general3A_106 = arith.constant dense<0.000000e+00> : vector<512x1024xf32>
    %dot_general3A_107 = tpu.matmul %get3A_102, %get3A_105, %dot_general3A_106 {dimension_numbers = #tpu.dot_dimension_numbers<[0], [0], [1], [1], [0, 1, 1, 1], [], []>, transpose_lhs_hint = false} : vector<24x512xf32>, vector<24x1024xf32>, vector<512x1024xf32> -> vector<512x1024xf32>
    %swap3A_108 = arith.constant 0 : index
    %swap3A_109 = arith.constant 0 : index
    %swap3A_110 = vector.load %arg7[%swap3A_108, %swap3A_109] : memref<512x1024xf32, #tpu.memory_space<vmem>>, vector<512x1024xf32>
    tpu.vector_store %arg7[%swap3A_108, %swap3A_109], %dot_general3A_107 {strides = array<i32>} : memref<512x1024xf32, #tpu.memory_space<vmem>>, vector<512x1024xf32>,
    %mul3A_111 = arith.constant 512 : i32
    %mul3A_112 = arith.muli %add3A_82, %mul3A_111 : i32
    %dma_start3A_113 = arith.constant 2 : i32
    %dma_start3A_114 = tpu.memref_slice %arg21[%dma_start3A_113] : memref<14x!tpu.dma_semaphore, #tpu.memory_space<semaphore_mem>> -> memref<1x!tpu.dma_semaphore, #tpu.memory_space<semaphore_mem>>
    %dma_start3A_115 = tpu.memref_squeeze %dma_start3A_114 : memref<1x!tpu.dma_semaphore, #tpu.memory_space<semaphore_mem>> -> memref<!tpu.dma_semaphore, #tpu.memory_space<semaphore_mem>>
    %dma_start3A_116 = arith.constant 0 : i32
    %dma_start3A_117 = tpu.memref_slice %arg4[%mul3A_112, %dma_start3A_116] : memref<100000x1024xf32, #tpu.memory_space<any>> -> memref<512x1024xf32, #tpu.memory_space<any>>
    %dma_start3A_118 = arith.constant 0 : i32
    %dma_start3A_119 = arith.constant 0 : i32
    %dma_start3A_120 = tpu.memref_slice %arg7[%dma_start3A_118, %dma_start3A_119] : memref<512x1024xf32, #tpu.memory_space<vmem>> -> memref<512x1024xf32, #tpu.memory_space<vmem>>
    tpu.enqueue_dma source(%dma_start3A_120 : memref<512x1024xf32, #tpu.memory_space<vmem>>) target(%dma_start3A_117 : memref<512x1024xf32, #tpu.memory_space<any>>) target_semaphore(%dma_start3A_115 : memref<!tpu.dma_semaphore, #tpu.memory_space<semaphore_mem>>)
    %mul3A_121 = arith.constant 14 : i32
    %mul3A_122 = arith.muli %arg0, %mul3A_121 : i32
    %add3A_123 = arith.constant 3 : i32
    %add3A_124 = arith.addi %mul3A_122, %add3A_123 : i32
    %gt3A_125 = arith.constant 0 : i32
    %gt3A_126 = arith.cmpi sgt, %arg0, %gt3A_125 : i32
    %convert_element_type3A_127 = arith.extui %gt3A_126 : i1 to i32
    %cond3A_128 = arith.constant 0 : i32
    %cond3A_129 = arith.cmpi ne, %convert_element_type3A_127, %cond3A_128 : i32
    scf.if %cond3A_129 {
      %sub3A = arith.constant 1 : i32
      %sub3A_587 = arith.subi %arg0, %sub3A : i32
      %mul3A_588 = arith.constant 14 : i32
      %mul3A_589 = arith.muli %sub3A_587, %mul3A_588 : i32
      %add3A_590 = arith.constant 3 : i32
      %add3A_591 = arith.addi %mul3A_589, %add3A_590 : i32
      %mul3A_592 = arith.constant 512 : i32
      %mul3A_593 = arith.muli %add3A_591, %mul3A_592 : i32
      %dma_wait3A = arith.constant 3 : i32
      %dma_wait3A_594 = tpu.memref_slice %arg21[%dma_wait3A] : memref<14x!tpu.dma_semaphore, #tpu.memory_space<semaphore_mem>> -> memref<1x!tpu.dma_semaphore, #tpu.memory_space<semaphore_mem>>
      %dma_wait3A_595 = tpu.memref_squeeze %dma_wait3A_594 : memref<1x!tpu.dma_semaphore, #tpu.memory_space<semaphore_mem>> -> memref<!tpu.dma_semaphore, #tpu.memory_space<semaphore_mem>>
      %dma_wait3A_596 = arith.constant 0 : i32
      %dma_wait3A_597 = tpu.memref_slice %arg4[%mul3A_593, %dma_wait3A_596] : memref<100000x1024xf32, #tpu.memory_space<any>> -> memref<512x1024xf32, #tpu.memory_space<any>>
      tpu.wait_dma2 semaphore(%dma_wait3A_595 : memref<!tpu.dma_semaphore, #tpu.memory_space<semaphore_mem>>) src(%arg8 : memref<512x1024xf32, #tpu.memory_space<vmem>>) dst(%dma_wait3A_597 : memref<512x1024xf32, #tpu.memory_space<any>>)
    } else {
    }
    %get3A_130 = arith.constant 0 : index
    %get3A_131 = arith.constant 1536 : index
    %get3A_132 = vector.load %arg2[%get3A_130, %get3A_131] : memref<16x7168xf32, #tpu.memory_space<vmem>>, vector<16x512xf32>
    %swap3A_133 = arith.constant 0 : index
    %swap3A_134 = arith.constant 0 : index
    %swap3A_135 = vector.load %arg20[%swap3A_133, %swap3A_134] : memref<24x512xf32, #tpu.memory_space<vmem>>, vector<16x512xf32>
    tpu.vector_store %arg20[%swap3A_133, %swap3A_134], %get3A_132 {strides = array<i32>} : memref<24x512xf32, #tpu.memory_space<vmem>>, vector<16x512xf32>,
    %get3A_136 = arith.constant 0 : index
    %get3A_137 = arith.constant 1536 : index
    %get3A_138 = vector.load %arg3[%get3A_136, %get3A_137] : memref<1x7168xf32, #tpu.memory_space<vmem>>, vector<1x512xf32>
    %swap3A_139 = arith.constant 16 : index
    %swap3A_140 = arith.constant 0 : index
    %swap3A_141 = vector.load %arg20[%swap3A_139, %swap3A_140] : memref<24x512xf32, #tpu.memory_space<vmem>>, vector<1x512xf32>
    tpu.vector_store %arg20[%swap3A_139, %swap3A_140], %get3A_138 {strides = array<i32>} : memref<24x512xf32, #tpu.memory_space<vmem>>, vector<1x512xf32>,
    %get3A_142 = arith.constant 0 : index
    %get3A_143 = arith.constant 0 : index
    %get3A_144 = vector.load %arg20[%get3A_142, %get3A_143] : memref<24x512xf32, #tpu.memory_space<vmem>>, vector<24x512xf32>
    %get3A_145 = arith.constant 0 : index
    %get3A_146 = arith.constant 0 : index
    %get3A_147 = vector.load %arg19[%get3A_145, %get3A_146] : memref<24x1024xf32, #tpu.memory_space<vmem>>, vector<24x1024xf32>
    %dot_general3A_148 = arith.constant dense<0.000000e+00> : vector<512x1024xf32>
    %dot_general3A_149 = tpu.matmul %get3A_144, %get3A_147, %dot_general3A_148 {dimension_numbers = #tpu.dot_dimension_numbers<[0], [0], [1], [1], [0, 1, 1, 1], [], []>, transpose_lhs_hint = false} : vector<24x512xf32>, vector<24x1024xf32>, vector<512x1024xf32> -> vector<512x1024xf32>
    %swap3A_150 = arith.constant 0 : index
    %swap3A_151 = arith.constant 0 : index
    %swap3A_152 = vector.load %arg8[%swap3A_150, %swap3A_151] : memref<512x1024xf32, #tpu.memory_space<vmem>>, vector<512x1024xf32>
    tpu.vector_store %arg8[%swap3A_150, %swap3A_151], %dot_general3A_149 {strides = array<i32>} : memref<512x1024xf32, #tpu.memory_space<vmem>>, vector<512x1024xf32>,
    %mul3A_153 = arith.constant 512 : i32
    %mul3A_154 = arith.muli %add3A_124, %mul3A_153 : i32
    %dma_start3A_155 = arith.constant 3 : i32
    %dma_start3A_156 = tpu.memref_slice %arg21[%dma_start3A_155] : memref<14x!tpu.dma_semaphore, #tpu.memory_space<semaphore_mem>> -> memref<1x!tpu.dma_semaphore, #tpu.memory_space<semaphore_mem>>
    %dma_start3A_157 = tpu.memref_squeeze %dma_start3A_156 : memref<1x!tpu.dma_semaphore, #tpu.memory_space<semaphore_mem>> -> memref<!tpu.dma_semaphore, #tpu.memory_space<semaphore_mem>>
    %dma_start3A_158 = arith.constant 0 : i32
    %dma_start3A_159 = tpu.memref_slice %arg4[%mul3A_154, %dma_start3A_158] : memref<100000x1024xf32, #tpu.memory_space<any>> -> memref<512x1024xf32, #tpu.memory_space<any>>
    %dma_start3A_160 = arith.constant 0 : i32
    %dma_start3A_161 = arith.constant 0 : i32
    %dma_start3A_162 = tpu.memref_slice %arg8[%dma_start3A_160, %dma_start3A_161] : memref<512x1024xf32, #tpu.memory_space<vmem>> -> memref<512x1024xf32, #tpu.memory_space<vmem>>
    tpu.enqueue_dma source(%dma_start3A_162 : memref<512x1024xf32, #tpu.memory_space<vmem>>) target(%dma_start3A_159 : memref<512x1024xf32, #tpu.memory_space<any>>) target_semaphore(%dma_start3A_157 : memref<!tpu.dma_semaphore, #tpu.memory_space<semaphore_mem>>)
    %mul3A_163 = arith.constant 14 : i32
    %mul3A_164 = arith.muli %arg0, %mul3A_163 : i32
    %add3A_165 = arith.constant 4 : i32
    %add3A_166 = arith.addi %mul3A_164, %add3A_165 : i32
    %gt3A_167 = arith.constant 0 : i32
    %gt3A_168 = arith.cmpi sgt, %arg0, %gt3A_167 : i32
    %convert_element_type3A_169 = arith.extui %gt3A_168 : i1 to i32
    %cond3A_170 = arith.constant 0 : i32
    %cond3A_171 = arith.cmpi ne, %convert_element_type3A_169, %cond3A_170 : i32
    scf.if %cond3A_171 {
      %sub3A = arith.constant 1 : i32
      %sub3A_587 = arith.subi %arg0, %sub3A : i32
      %mul3A_588 = arith.constant 14 : i32
      %mul3A_589 = arith.muli %sub3A_587, %mul3A_588 : i32
      %add3A_590 = arith.constant 4 : i32
      %add3A_591 = arith.addi %mul3A_589, %add3A_590 : i32
      %mul3A_592 = arith.constant 512 : i32
      %mul3A_593 = arith.muli %add3A_591, %mul3A_592 : i32
      %dma_wait3A = arith.constant 4 : i32
      %dma_wait3A_594 = tpu.memref_slice %arg21[%dma_wait3A] : memref<14x!tpu.dma_semaphore, #tpu.memory_space<semaphore_mem>> -> memref<1x!tpu.dma_semaphore, #tpu.memory_space<semaphore_mem>>
      %dma_wait3A_595 = tpu.memref_squeeze %dma_wait3A_594 : memref<1x!tpu.dma_semaphore, #tpu.memory_space<semaphore_mem>> -> memref<!tpu.dma_semaphore, #tpu.memory_space<semaphore_mem>>
      %dma_wait3A_596 = arith.constant 0 : i32
      %dma_wait3A_597 = tpu.memref_slice %arg4[%mul3A_593, %dma_wait3A_596] : memref<100000x1024xf32, #tpu.memory_space<any>> -> memref<512x1024xf32, #tpu.memory_space<any>>
      tpu.wait_dma2 semaphore(%dma_wait3A_595 : memref<!tpu.dma_semaphore, #tpu.memory_space<semaphore_mem>>) src(%arg9 : memref<512x1024xf32, #tpu.memory_space<vmem>>) dst(%dma_wait3A_597 : memref<512x1024xf32, #tpu.memory_space<any>>)
    } else {
    }
    %get3A_172 = arith.constant 0 : index
    %get3A_173 = arith.constant 2048 : index
    %get3A_174 = vector.load %arg2[%get3A_172, %get3A_173] : memref<16x7168xf32, #tpu.memory_space<vmem>>, vector<16x512xf32>
    %swap3A_175 = arith.constant 0 : index
    %swap3A_176 = arith.constant 0 : index
    %swap3A_177 = vector.load %arg20[%swap3A_175, %swap3A_176] : memref<24x512xf32, #tpu.memory_space<vmem>>, vector<16x512xf32>
    tpu.vector_store %arg20[%swap3A_175, %swap3A_176], %get3A_174 {strides = array<i32>} : memref<24x512xf32, #tpu.memory_space<vmem>>, vector<16x512xf32>,
    %get3A_178 = arith.constant 0 : index
    %get3A_179 = arith.constant 2048 : index
    %get3A_180 = vector.load %arg3[%get3A_178, %get3A_179] : memref<1x7168xf32, #tpu.memory_space<vmem>>, vector<1x512xf32>
    %swap3A_181 = arith.constant 16 : index
    %swap3A_182 = arith.constant 0 : index
    %swap3A_183 = vector.load %arg20[%swap3A_181, %swap3A_182] : memref<24x512xf32, #tpu.memory_space<vmem>>, vector<1x512xf32>
    tpu.vector_store %arg20[%swap3A_181, %swap3A_182], %get3A_180 {strides = array<i32>} : memref<24x512xf32, #tpu.memory_space<vmem>>, vector<1x512xf32>,
    %get3A_184 = arith.constant 0 : index
    %get3A_185 = arith.constant 0 : index
    %get3A_186 = vector.load %arg20[%get3A_184, %get3A_185] : memref<24x512xf32, #tpu.memory_space<vmem>>, vector<24x512xf32>
    %get3A_187 = arith.constant 0 : index
    %get3A_188 = arith.constant 0 : index
    %get3A_189 = vector.load %arg19[%get3A_187, %get3A_188] : memref<24x1024xf32, #tpu.memory_space<vmem>>, vector<24x1024xf32>
    %dot_general3A_190 = arith.constant dense<0.000000e+00> : vector<512x1024xf32>
    %dot_general3A_191 = tpu.matmul %get3A_186, %get3A_189, %dot_general3A_190 {dimension_numbers = #tpu.dot_dimension_numbers<[0], [0], [1], [1], [0, 1, 1, 1], [], []>, transpose_lhs_hint = false} : vector<24x512xf32>, vector<24x1024xf32>, vector<512x1024xf32> -> vector<512x1024xf32>
    %swap3A_192 = arith.constant 0 : index
    %swap3A_193 = arith.constant 0 : index
    %swap3A_194 = vector.load %arg9[%swap3A_192, %swap3A_193] : memref<512x1024xf32, #tpu.memory_space<vmem>>, vector<512x1024xf32>
    tpu.vector_store %arg9[%swap3A_192, %swap3A_193], %dot_general3A_191 {strides = array<i32>} : memref<512x1024xf32, #tpu.memory_space<vmem>>, vector<512x1024xf32>,
    %mul3A_195 = arith.constant 512 : i32
    %mul3A_196 = arith.muli %add3A_166, %mul3A_195 : i32
    %dma_start3A_197 = arith.constant 4 : i32
    %dma_start3A_198 = tpu.memref_slice %arg21[%dma_start3A_197] : memref<14x!tpu.dma_semaphore, #tpu.memory_space<semaphore_mem>> -> memref<1x!tpu.dma_semaphore, #tpu.memory_space<semaphore_mem>>
    %dma_start3A_199 = tpu.memref_squeeze %dma_start3A_198 : memref<1x!tpu.dma_semaphore, #tpu.memory_space<semaphore_mem>> -> memref<!tpu.dma_semaphore, #tpu.memory_space<semaphore_mem>>
    %dma_start3A_200 = arith.constant 0 : i32
    %dma_start3A_201 = tpu.memref_slice %arg4[%mul3A_196, %dma_start3A_200] : memref<100000x1024xf32, #tpu.memory_space<any>> -> memref<512x1024xf32, #tpu.memory_space<any>>
    %dma_start3A_202 = arith.constant 0 : i32
    %dma_start3A_203 = arith.constant 0 : i32
    %dma_start3A_204 = tpu.memref_slice %arg9[%dma_start3A_202, %dma_start3A_203] : memref<512x1024xf32, #tpu.memory_space<vmem>> -> memref<512x1024xf32, #tpu.memory_space<vmem>>
    tpu.enqueue_dma source(%dma_start3A_204 : memref<512x1024xf32, #tpu.memory_space<vmem>>) target(%dma_start3A_201 : memref<512x1024xf32, #tpu.memory_space<any>>) target_semaphore(%dma_start3A_199 : memref<!tpu.dma_semaphore, #tpu.memory_space<semaphore_mem>>)
    %mul3A_205 = arith.constant 14 : i32
    %mul3A_206 = arith.muli %arg0, %mul3A_205 : i32
    %add3A_207 = arith.constant 5 : i32
    %add3A_208 = arith.addi %mul3A_206, %add3A_207 : i32
    %gt3A_209 = arith.constant 0 : i32
    %gt3A_210 = arith.cmpi sgt, %arg0, %gt3A_209 : i32
    %convert_element_type3A_211 = arith.extui %gt3A_210 : i1 to i32
    %cond3A_212 = arith.constant 0 : i32
    %cond3A_213 = arith.cmpi ne, %convert_element_type3A_211, %cond3A_212 : i32
    scf.if %cond3A_213 {
      %sub3A = arith.constant 1 : i32
      %sub3A_587 = arith.subi %arg0, %sub3A : i32
      %mul3A_588 = arith.constant 14 : i32
      %mul3A_589 = arith.muli %sub3A_587, %mul3A_588 : i32
      %add3A_590 = arith.constant 5 : i32
      %add3A_591 = arith.addi %mul3A_589, %add3A_590 : i32
      %mul3A_592 = arith.constant 512 : i32
      %mul3A_593 = arith.muli %add3A_591, %mul3A_592 : i32
      %dma_wait3A = arith.constant 5 : i32
      %dma_wait3A_594 = tpu.memref_slice %arg21[%dma_wait3A] : memref<14x!tpu.dma_semaphore, #tpu.memory_space<semaphore_mem>> -> memref<1x!tpu.dma_semaphore, #tpu.memory_space<semaphore_mem>>
      %dma_wait3A_595 = tpu.memref_squeeze %dma_wait3A_594 : memref<1x!tpu.dma_semaphore, #tpu.memory_space<semaphore_mem>> -> memref<!tpu.dma_semaphore, #tpu.memory_space<semaphore_mem>>
      %dma_wait3A_596 = arith.constant 0 : i32
      %dma_wait3A_597 = tpu.memref_slice %arg4[%mul3A_593, %dma_wait3A_596] : memref<100000x1024xf32, #tpu.memory_space<any>> -> memref<512x1024xf32, #tpu.memory_space<any>>
      tpu.wait_dma2 semaphore(%dma_wait3A_595 : memref<!tpu.dma_semaphore, #tpu.memory_space<semaphore_mem>>) src(%arg10 : memref<512x1024xf32, #tpu.memory_space<vmem>>) dst(%dma_wait3A_597 : memref<512x1024xf32, #tpu.memory_space<any>>)
    } else {
    }
    %get3A_214 = arith.constant 0 : index
    %get3A_215 = arith.constant 2560 : index
    %get3A_216 = vector.load %arg2[%get3A_214, %get3A_215] : memref<16x7168xf32, #tpu.memory_space<vmem>>, vector<16x512xf32>
    %swap3A_217 = arith.constant 0 : index
    %swap3A_218 = arith.constant 0 : index
    %swap3A_219 = vector.load %arg20[%swap3A_217, %swap3A_218] : memref<24x512xf32, #tpu.memory_space<vmem>>, vector<16x512xf32>
    tpu.vector_store %arg20[%swap3A_217, %swap3A_218], %get3A_216 {strides = array<i32>} : memref<24x512xf32, #tpu.memory_space<vmem>>, vector<16x512xf32>,
    %get3A_220 = arith.constant 0 : index
    %get3A_221 = arith.constant 2560 : index
    %get3A_222 = vector.load %arg3[%get3A_220, %get3A_221] : memref<1x7168xf32, #tpu.memory_space<vmem>>, vector<1x512xf32>
    %swap3A_223 = arith.constant 16 : index
    %swap3A_224 = arith.constant 0 : index
    %swap3A_225 = vector.load %arg20[%swap3A_223, %swap3A_224] : memref<24x512xf32, #tpu.memory_space<vmem>>, vector<1x512xf32>
    tpu.vector_store %arg20[%swap3A_223, %swap3A_224], %get3A_222 {strides = array<i32>} : memref<24x512xf32, #tpu.memory_space<vmem>>, vector<1x512xf32>,
    %get3A_226 = arith.constant 0 : index
    %get3A_227 = arith.constant 0 : index
    %get3A_228 = vector.load %arg20[%get3A_226, %get3A_227] : memref<24x512xf32, #tpu.memory_space<vmem>>, vector<24x512xf32>
    %get3A_229 = arith.constant 0 : index
    %get3A_230 = arith.constant 0 : index
    %get3A_231 = vector.load %arg19[%get3A_229, %get3A_230] : memref<24x1024xf32, #tpu.memory_space<vmem>>, vector<24x1024xf32>
    %dot_general3A_232 = arith.constant dense<0.000000e+00> : vector<512x1024xf32>
    %dot_general3A_233 = tpu.matmul %get3A_228, %get3A_231, %dot_general3A_232 {dimension_numbers = #tpu.dot_dimension_numbers<[0], [0], [1], [1], [0, 1, 1, 1], [], []>, transpose_lhs_hint = false} : vector<24x512xf32>, vector<24x1024xf32>, vector<512x1024xf32> -> vector<512x1024xf32>
    %swap3A_234 = arith.constant 0 : index
    %swap3A_235 = arith.constant 0 : index
    %swap3A_236 = vector.load %arg10[%swap3A_234, %swap3A_235] : memref<512x1024xf32, #tpu.memory_space<vmem>>, vector<512x1024xf32>
    tpu.vector_store %arg10[%swap3A_234, %swap3A_235], %dot_general3A_233 {strides = array<i32>} : memref<512x1024xf32, #tpu.memory_space<vmem>>, vector<512x1024xf32>,
    %mul3A_237 = arith.constant 512 : i32
    %mul3A_238 = arith.muli %add3A_208, %mul3A_237 : i32
    %dma_start3A_239 = arith.constant 5 : i32
    %dma_start3A_240 = tpu.memref_slice %arg21[%dma_start3A_239] : memref<14x!tpu.dma_semaphore, #tpu.memory_space<semaphore_mem>> -> memref<1x!tpu.dma_semaphore, #tpu.memory_space<semaphore_mem>>
    %dma_start3A_241 = tpu.memref_squeeze %dma_start3A_240 : memref<1x!tpu.dma_semaphore, #tpu.memory_space<semaphore_mem>> -> memref<!tpu.dma_semaphore, #tpu.memory_space<semaphore_mem>>
    %dma_start3A_242 = arith.constant 0 : i32
    %dma_start3A_243 = tpu.memref_slice %arg4[%mul3A_238, %dma_start3A_242] : memref<100000x1024xf32, #tpu.memory_space<any>> -> memref<512x1024xf32, #tpu.memory_space<any>>
    %dma_start3A_244 = arith.constant 0 : i32
    %dma_start3A_245 = arith.constant 0 : i32
    %dma_start3A_246 = tpu.memref_slice %arg10[%dma_start3A_244, %dma_start3A_245] : memref<512x1024xf32, #tpu.memory_space<vmem>> -> memref<512x1024xf32, #tpu.memory_space<vmem>>
    tpu.enqueue_dma source(%dma_start3A_246 : memref<512x1024xf32, #tpu.memory_space<vmem>>) target(%dma_start3A_243 : memref<512x1024xf32, #tpu.memory_space<any>>) target_semaphore(%dma_start3A_241 : memref<!tpu.dma_semaphore, #tpu.memory_space<semaphore_mem>>)
    %mul3A_247 = arith.constant 14 : i32
    %mul3A_248 = arith.muli %arg0, %mul3A_247 : i32
    %add3A_249 = arith.constant 6 : i32
    %add3A_250 = arith.addi %mul3A_248, %add3A_249 : i32
    %gt3A_251 = arith.constant 0 : i32
    %gt3A_252 = arith.cmpi sgt, %arg0, %gt3A_251 : i32
    %convert_element_type3A_253 = arith.extui %gt3A_252 : i1 to i32
    %cond3A_254 = arith.constant 0 : i32
    %cond3A_255 = arith.cmpi ne, %convert_element_type3A_253, %cond3A_254 : i32
    scf.if %cond3A_255 {
      %sub3A = arith.constant 1 : i32
      %sub3A_587 = arith.subi %arg0, %sub3A : i32
      %mul3A_588 = arith.constant 14 : i32
      %mul3A_589 = arith.muli %sub3A_587, %mul3A_588 : i32
      %add3A_590 = arith.constant 6 : i32
      %add3A_591 = arith.addi %mul3A_589, %add3A_590 : i32
      %mul3A_592 = arith.constant 512 : i32
      %mul3A_593 = arith.muli %add3A_591, %mul3A_592 : i32
      %dma_wait3A = arith.constant 6 : i32
      %dma_wait3A_594 = tpu.memref_slice %arg21[%dma_wait3A] : memref<14x!tpu.dma_semaphore, #tpu.memory_space<semaphore_mem>> -> memref<1x!tpu.dma_semaphore, #tpu.memory_space<semaphore_mem>>
      %dma_wait3A_595 = tpu.memref_squeeze %dma_wait3A_594 : memref<1x!tpu.dma_semaphore, #tpu.memory_space<semaphore_mem>> -> memref<!tpu.dma_semaphore, #tpu.memory_space<semaphore_mem>>
      %dma_wait3A_596 = arith.constant 0 : i32
      %dma_wait3A_597 = tpu.memref_slice %arg4[%mul3A_593, %dma_wait3A_596] : memref<100000x1024xf32, #tpu.memory_space<any>> -> memref<512x1024xf32, #tpu.memory_space<any>>
      tpu.wait_dma2 semaphore(%dma_wait3A_595 : memref<!tpu.dma_semaphore, #tpu.memory_space<semaphore_mem>>) src(%arg11 : memref<512x1024xf32, #tpu.memory_space<vmem>>) dst(%dma_wait3A_597 : memref<512x1024xf32, #tpu.memory_space<any>>)
    } else {
    }
    %get3A_256 = arith.constant 0 : index
    %get3A_257 = arith.constant 3072 : index
    %get3A_258 = vector.load %arg2[%get3A_256, %get3A_257] : memref<16x7168xf32, #tpu.memory_space<vmem>>, vector<16x512xf32>
    %swap3A_259 = arith.constant 0 : index
    %swap3A_260 = arith.constant 0 : index
    %swap3A_261 = vector.load %arg20[%swap3A_259, %swap3A_260] : memref<24x512xf32, #tpu.memory_space<vmem>>, vector<16x512xf32>
    tpu.vector_store %arg20[%swap3A_259, %swap3A_260], %get3A_258 {strides = array<i32>} : memref<24x512xf32, #tpu.memory_space<vmem>>, vector<16x512xf32>,
    %get3A_262 = arith.constant 0 : index
    %get3A_263 = arith.constant 3072 : index
    %get3A_264 = vector.load %arg3[%get3A_262, %get3A_263] : memref<1x7168xf32, #tpu.memory_space<vmem>>, vector<1x512xf32>
    %swap3A_265 = arith.constant 16 : index
    %swap3A_266 = arith.constant 0 : index
    %swap3A_267 = vector.load %arg20[%swap3A_265, %swap3A_266] : memref<24x512xf32, #tpu.memory_space<vmem>>, vector<1x512xf32>
    tpu.vector_store %arg20[%swap3A_265, %swap3A_266], %get3A_264 {strides = array<i32>} : memref<24x512xf32, #tpu.memory_space<vmem>>, vector<1x512xf32>,
    %get3A_268 = arith.constant 0 : index
    %get3A_269 = arith.constant 0 : index
    %get3A_270 = vector.load %arg20[%get3A_268, %get3A_269] : memref<24x512xf32, #tpu.memory_space<vmem>>, vector<24x512xf32>
    %get3A_271 = arith.constant 0 : index
    %get3A_272 = arith.constant 0 : index
    %get3A_273 = vector.load %arg19[%get3A_271, %get3A_272] : memref<24x1024xf32, #tpu.memory_space<vmem>>, vector<24x1024xf32>
    %dot_general3A_274 = arith.constant dense<0.000000e+00> : vector<512x1024xf32>
    %dot_general3A_275 = tpu.matmul %get3A_270, %get3A_273, %dot_general3A_274 {dimension_numbers = #tpu.dot_dimension_numbers<[0], [0], [1], [1], [0, 1, 1, 1], [], []>, transpose_lhs_hint = false} : vector<24x512xf32>, vector<24x1024xf32>, vector<512x1024xf32> -> vector<512x1024xf32>
    %swap3A_276 = arith.constant 0 : index
    %swap3A_277 = arith.constant 0 : index
    %swap3A_278 = vector.load %arg11[%swap3A_276, %swap3A_277] : memref<512x1024xf32, #tpu.memory_space<vmem>>, vector<512x1024xf32>
    tpu.vector_store %arg11[%swap3A_276, %swap3A_277], %dot_general3A_275 {strides = array<i32>} : memref<512x1024xf32, #tpu.memory_space<vmem>>, vector<512x1024xf32>,
    %mul3A_279 = arith.constant 512 : i32
    %mul3A_280 = arith.muli %add3A_250, %mul3A_279 : i32
    %dma_start3A_281 = arith.constant 6 : i32
    %dma_start3A_282 = tpu.memref_slice %arg21[%dma_start3A_281] : memref<14x!tpu.dma_semaphore, #tpu.memory_space<semaphore_mem>> -> memref<1x!tpu.dma_semaphore, #tpu.memory_space<semaphore_mem>>
    %dma_start3A_283 = tpu.memref_squeeze %dma_start3A_282 : memref<1x!tpu.dma_semaphore, #tpu.memory_space<semaphore_mem>> -> memref<!tpu.dma_semaphore, #tpu.memory_space<semaphore_mem>>
    %dma_start3A_284 = arith.constant 0 : i32
    %dma_start3A_285 = tpu.memref_slice %arg4[%mul3A_280, %dma_start3A_284] : memref<100000x1024xf32, #tpu.memory_space<any>> -> memref<512x1024xf32, #tpu.memory_space<any>>
    %dma_start3A_286 = arith.constant 0 : i32
    %dma_start3A_287 = arith.constant 0 : i32
    %dma_start3A_288 = tpu.memref_slice %arg11[%dma_start3A_286, %dma_start3A_287] : memref<512x1024xf32, #tpu.memory_space<vmem>> -> memref<512x1024xf32, #tpu.memory_space<vmem>>
    tpu.enqueue_dma source(%dma_start3A_288 : memref<512x1024xf32, #tpu.memory_space<vmem>>) target(%dma_start3A_285 : memref<512x1024xf32, #tpu.memory_space<any>>) target_semaphore(%dma_start3A_283 : memref<!tpu.dma_semaphore, #tpu.memory_space<semaphore_mem>>)
    %mul3A_289 = arith.constant 14 : i32
    %mul3A_290 = arith.muli %arg0, %mul3A_289 : i32
    %add3A_291 = arith.constant 7 : i32
    %add3A_292 = arith.addi %mul3A_290, %add3A_291 : i32
    %gt3A_293 = arith.constant 0 : i32
    %gt3A_294 = arith.cmpi sgt, %arg0, %gt3A_293 : i32
    %convert_element_type3A_295 = arith.extui %gt3A_294 : i1 to i32
    %cond3A_296 = arith.constant 0 : i32
    %cond3A_297 = arith.cmpi ne, %convert_element_type3A_295, %cond3A_296 : i32
    scf.if %cond3A_297 {
      %sub3A = arith.constant 1 : i32
      %sub3A_587 = arith.subi %arg0, %sub3A : i32
      %mul3A_588 = arith.constant 14 : i32
      %mul3A_589 = arith.muli %sub3A_587, %mul3A_588 : i32
      %add3A_590 = arith.constant 7 : i32
      %add3A_591 = arith.addi %mul3A_589, %add3A_590 : i32
      %mul3A_592 = arith.constant 512 : i32
      %mul3A_593 = arith.muli %add3A_591, %mul3A_592 : i32
      %dma_wait3A = arith.constant 7 : i32
      %dma_wait3A_594 = tpu.memref_slice %arg21[%dma_wait3A] : memref<14x!tpu.dma_semaphore, #tpu.memory_space<semaphore_mem>> -> memref<1x!tpu.dma_semaphore, #tpu.memory_space<semaphore_mem>>
      %dma_wait3A_595 = tpu.memref_squeeze %dma_wait3A_594 : memref<1x!tpu.dma_semaphore, #tpu.memory_space<semaphore_mem>> -> memref<!tpu.dma_semaphore, #tpu.memory_space<semaphore_mem>>
      %dma_wait3A_596 = arith.constant 0 : i32
      %dma_wait3A_597 = tpu.memref_slice %arg4[%mul3A_593, %dma_wait3A_596] : memref<100000x1024xf32, #tpu.memory_space<any>> -> memref<512x1024xf32, #tpu.memory_space<any>>
      tpu.wait_dma2 semaphore(%dma_wait3A_595 : memref<!tpu.dma_semaphore, #tpu.memory_space<semaphore_mem>>) src(%arg12 : memref<512x1024xf32, #tpu.memory_space<vmem>>) dst(%dma_wait3A_597 : memref<512x1024xf32, #tpu.memory_space<any>>)
    } else {
    }
    %get3A_298 = arith.constant 0 : index
    %get3A_299 = arith.constant 3584 : index
    %get3A_300 = vector.load %arg2[%get3A_298, %get3A_299] : memref<16x7168xf32, #tpu.memory_space<vmem>>, vector<16x512xf32>
    %swap3A_301 = arith.constant 0 : index
    %swap3A_302 = arith.constant 0 : index
    %swap3A_303 = vector.load %arg20[%swap3A_301, %swap3A_302] : memref<24x512xf32, #tpu.memory_space<vmem>>, vector<16x512xf32>
    tpu.vector_store %arg20[%swap3A_301, %swap3A_302], %get3A_300 {strides = array<i32>} : memref<24x512xf32, #tpu.memory_space<vmem>>, vector<16x512xf32>,
    %get3A_304 = arith.constant 0 : index
    %get3A_305 = arith.constant 3584 : index
    %get3A_306 = vector.load %arg3[%get3A_304, %get3A_305] : memref<1x7168xf32, #tpu.memory_space<vmem>>, vector<1x512xf32>
    %swap3A_307 = arith.constant 16 : index
    %swap3A_308 = arith.constant 0 : index
    %swap3A_309 = vector.load %arg20[%swap3A_307, %swap3A_308] : memref<24x512xf32, #tpu.memory_space<vmem>>, vector<1x512xf32>
    tpu.vector_store %arg20[%swap3A_307, %swap3A_308], %get3A_306 {strides = array<i32>} : memref<24x512xf32, #tpu.memory_space<vmem>>, vector<1x512xf32>,
    %get3A_310 = arith.constant 0 : index
    %get3A_311 = arith.constant 0 : index
    %get3A_312 = vector.load %arg20[%get3A_310, %get3A_311] : memref<24x512xf32, #tpu.memory_space<vmem>>, vector<24x512xf32>
    %get3A_313 = arith.constant 0 : index
    %get3A_314 = arith.constant 0 : index
    %get3A_315 = vector.load %arg19[%get3A_313, %get3A_314] : memref<24x1024xf32, #tpu.memory_space<vmem>>, vector<24x1024xf32>
    %dot_general3A_316 = arith.constant dense<0.000000e+00> : vector<512x1024xf32>
    %dot_general3A_317 = tpu.matmul %get3A_312, %get3A_315, %dot_general3A_316 {dimension_numbers = #tpu.dot_dimension_numbers<[0], [0], [1], [1], [0, 1, 1, 1], [], []>, transpose_lhs_hint = false} : vector<24x512xf32>, vector<24x1024xf32>, vector<512x1024xf32> -> vector<512x1024xf32>
    %swap3A_318 = arith.constant 0 : index
    %swap3A_319 = arith.constant 0 : index
    %swap3A_320 = vector.load %arg12[%swap3A_318, %swap3A_319] : memref<512x1024xf32, #tpu.memory_space<vmem>>, vector<512x1024xf32>
    tpu.vector_store %arg12[%swap3A_318, %swap3A_319], %dot_general3A_317 {strides = array<i32>} : memref<512x1024xf32, #tpu.memory_space<vmem>>, vector<512x1024xf32>,
    %mul3A_321 = arith.constant 512 : i32
    %mul3A_322 = arith.muli %add3A_292, %mul3A_321 : i32
    %dma_start3A_323 = arith.constant 7 : i32
    %dma_start3A_324 = tpu.memref_slice %arg21[%dma_start3A_323] : memref<14x!tpu.dma_semaphore, #tpu.memory_space<semaphore_mem>> -> memref<1x!tpu.dma_semaphore, #tpu.memory_space<semaphore_mem>>
    %dma_start3A_325 = tpu.memref_squeeze %dma_start3A_324 : memref<1x!tpu.dma_semaphore, #tpu.memory_space<semaphore_mem>> -> memref<!tpu.dma_semaphore, #tpu.memory_space<semaphore_mem>>
    %dma_start3A_326 = arith.constant 0 : i32
    %dma_start3A_327 = tpu.memref_slice %arg4[%mul3A_322, %dma_start3A_326] : memref<100000x1024xf32, #tpu.memory_space<any>> -> memref<512x1024xf32, #tpu.memory_space<any>>
    %dma_start3A_328 = arith.constant 0 : i32
    %dma_start3A_329 = arith.constant 0 : i32
    %dma_start3A_330 = tpu.memref_slice %arg12[%dma_start3A_328, %dma_start3A_329] : memref<512x1024xf32, #tpu.memory_space<vmem>> -> memref<512x1024xf32, #tpu.memory_space<vmem>>
    tpu.enqueue_dma source(%dma_start3A_330 : memref<512x1024xf32, #tpu.memory_space<vmem>>) target(%dma_start3A_327 : memref<512x1024xf32, #tpu.memory_space<any>>) target_semaphore(%dma_start3A_325 : memref<!tpu.dma_semaphore, #tpu.memory_space<semaphore_mem>>)
    %mul3A_331 = arith.constant 14 : i32
    %mul3A_332 = arith.muli %arg0, %mul3A_331 : i32
    %add3A_333 = arith.constant 8 : i32
    %add3A_334 = arith.addi %mul3A_332, %add3A_333 : i32
    %gt3A_335 = arith.constant 0 : i32
    %gt3A_336 = arith.cmpi sgt, %arg0, %gt3A_335 : i32
    %convert_element_type3A_337 = arith.extui %gt3A_336 : i1 to i32
    %cond3A_338 = arith.constant 0 : i32
    %cond3A_339 = arith.cmpi ne, %convert_element_type3A_337, %cond3A_338 : i32
    scf.if %cond3A_339 {
      %sub3A = arith.constant 1 : i32
      %sub3A_587 = arith.subi %arg0, %sub3A : i32
      %mul3A_588 = arith.constant 14 : i32
      %mul3A_589 = arith.muli %sub3A_587, %mul3A_588 : i32
      %add3A_590 = arith.constant 8 : i32
      %add3A_591 = arith.addi %mul3A_589, %add3A_590 : i32
      %mul3A_592 = arith.constant 512 : i32
      %mul3A_593 = arith.muli %add3A_591, %mul3A_592 : i32
      %dma_wait3A = arith.constant 8 : i32
      %dma_wait3A_594 = tpu.memref_slice %arg21[%dma_wait3A] : memref<14x!tpu.dma_semaphore, #tpu.memory_space<semaphore_mem>> -> memref<1x!tpu.dma_semaphore, #tpu.memory_space<semaphore_mem>>
      %dma_wait3A_595 = tpu.memref_squeeze %dma_wait3A_594 : memref<1x!tpu.dma_semaphore, #tpu.memory_space<semaphore_mem>> -> memref<!tpu.dma_semaphore, #tpu.memory_space<semaphore_mem>>
      %dma_wait3A_596 = arith.constant 0 : i32
      %dma_wait3A_597 = tpu.memref_slice %arg4[%mul3A_593, %dma_wait3A_596] : memref<100000x1024xf32, #tpu.memory_space<any>> -> memref<512x1024xf32, #tpu.memory_space<any>>
      tpu.wait_dma2 semaphore(%dma_wait3A_595 : memref<!tpu.dma_semaphore, #tpu.memory_space<semaphore_mem>>) src(%arg13 : memref<512x1024xf32, #tpu.memory_space<vmem>>) dst(%dma_wait3A_597 : memref<512x1024xf32, #tpu.memory_space<any>>)
    } else {
    }
    %get3A_340 = arith.constant 0 : index
    %get3A_341 = arith.constant 4096 : index
    %get3A_342 = vector.load %arg2[%get3A_340, %get3A_341] : memref<16x7168xf32, #tpu.memory_space<vmem>>, vector<16x512xf32>
    %swap3A_343 = arith.constant 0 : index
    %swap3A_344 = arith.constant 0 : index
    %swap3A_345 = vector.load %arg20[%swap3A_343, %swap3A_344] : memref<24x512xf32, #tpu.memory_space<vmem>>, vector<16x512xf32>
    tpu.vector_store %arg20[%swap3A_343, %swap3A_344], %get3A_342 {strides = array<i32>} : memref<24x512xf32, #tpu.memory_space<vmem>>, vector<16x512xf32>,
    %get3A_346 = arith.constant 0 : index
    %get3A_347 = arith.constant 4096 : index
    %get3A_348 = vector.load %arg3[%get3A_346, %get3A_347] : memref<1x7168xf32, #tpu.memory_space<vmem>>, vector<1x512xf32>
    %swap3A_349 = arith.constant 16 : index
    %swap3A_350 = arith.constant 0 : index
    %swap3A_351 = vector.load %arg20[%swap3A_349, %swap3A_350] : memref<24x512xf32, #tpu.memory_space<vmem>>, vector<1x512xf32>
    tpu.vector_store %arg20[%swap3A_349, %swap3A_350], %get3A_348 {strides = array<i32>} : memref<24x512xf32, #tpu.memory_space<vmem>>, vector<1x512xf32>,
    %get3A_352 = arith.constant 0 : index
    %get3A_353 = arith.constant 0 : index
    %get3A_354 = vector.load %arg20[%get3A_352, %get3A_353] : memref<24x512xf32, #tpu.memory_space<vmem>>, vector<24x512xf32>
    %get3A_355 = arith.constant 0 : index
    %get3A_356 = arith.constant 0 : index
    %get3A_357 = vector.load %arg19[%get3A_355, %get3A_356] : memref<24x1024xf32, #tpu.memory_space<vmem>>, vector<24x1024xf32>
    %dot_general3A_358 = arith.constant dense<0.000000e+00> : vector<512x1024xf32>
    %dot_general3A_359 = tpu.matmul %get3A_354, %get3A_357, %dot_general3A_358 {dimension_numbers = #tpu.dot_dimension_numbers<[0], [0], [1], [1], [0, 1, 1, 1], [], []>, transpose_lhs_hint = false} : vector<24x512xf32>, vector<24x1024xf32>, vector<512x1024xf32> -> vector<512x1024xf32>
    %swap3A_360 = arith.constant 0 : index
    %swap3A_361 = arith.constant 0 : index
    %swap3A_362 = vector.load %arg13[%swap3A_360, %swap3A_361] : memref<512x1024xf32, #tpu.memory_space<vmem>>, vector<512x1024xf32>
    tpu.vector_store %arg13[%swap3A_360, %swap3A_361], %dot_general3A_359 {strides = array<i32>} : memref<512x1024xf32, #tpu.memory_space<vmem>>, vector<512x1024xf32>,
    %mul3A_363 = arith.constant 512 : i32
    %mul3A_364 = arith.muli %add3A_334, %mul3A_363 : i32
    %dma_start3A_365 = arith.constant 8 : i32
    %dma_start3A_366 = tpu.memref_slice %arg21[%dma_start3A_365] : memref<14x!tpu.dma_semaphore, #tpu.memory_space<semaphore_mem>> -> memref<1x!tpu.dma_semaphore, #tpu.memory_space<semaphore_mem>>
    %dma_start3A_367 = tpu.memref_squeeze %dma_start3A_366 : memref<1x!tpu.dma_semaphore, #tpu.memory_space<semaphore_mem>> -> memref<!tpu.dma_semaphore, #tpu.memory_space<semaphore_mem>>
    %dma_start3A_368 = arith.constant 0 : i32
    %dma_start3A_369 = tpu.memref_slice %arg4[%mul3A_364, %dma_start3A_368] : memref<100000x1024xf32, #tpu.memory_space<any>> -> memref<512x1024xf32, #tpu.memory_space<any>>
    %dma_start3A_370 = arith.constant 0 : i32
    %dma_start3A_371 = arith.constant 0 : i32
    %dma_start3A_372 = tpu.memref_slice %arg13[%dma_start3A_370, %dma_start3A_371] : memref<512x1024xf32, #tpu.memory_space<vmem>> -> memref<512x1024xf32, #tpu.memory_space<vmem>>
    tpu.enqueue_dma source(%dma_start3A_372 : memref<512x1024xf32, #tpu.memory_space<vmem>>) target(%dma_start3A_369 : memref<512x1024xf32, #tpu.memory_space<any>>) target_semaphore(%dma_start3A_367 : memref<!tpu.dma_semaphore, #tpu.memory_space<semaphore_mem>>)
    %mul3A_373 = arith.constant 14 : i32
    %mul3A_374 = arith.muli %arg0, %mul3A_373 : i32
    %add3A_375 = arith.constant 9 : i32
    %add3A_376 = arith.addi %mul3A_374, %add3A_375 : i32
    %gt3A_377 = arith.constant 0 : i32
    %gt3A_378 = arith.cmpi sgt, %arg0, %gt3A_377 : i32
    %convert_element_type3A_379 = arith.extui %gt3A_378 : i1 to i32
    %cond3A_380 = arith.constant 0 : i32
    %cond3A_381 = arith.cmpi ne, %convert_element_type3A_379, %cond3A_380 : i32
    scf.if %cond3A_381 {
      %sub3A = arith.constant 1 : i32
      %sub3A_587 = arith.subi %arg0, %sub3A : i32
      %mul3A_588 = arith.constant 14 : i32
      %mul3A_589 = arith.muli %sub3A_587, %mul3A_588 : i32
      %add3A_590 = arith.constant 9 : i32
      %add3A_591 = arith.addi %mul3A_589, %add3A_590 : i32
      %mul3A_592 = arith.constant 512 : i32
      %mul3A_593 = arith.muli %add3A_591, %mul3A_592 : i32
      %dma_wait3A = arith.constant 9 : i32
      %dma_wait3A_594 = tpu.memref_slice %arg21[%dma_wait3A] : memref<14x!tpu.dma_semaphore, #tpu.memory_space<semaphore_mem>> -> memref<1x!tpu.dma_semaphore, #tpu.memory_space<semaphore_mem>>
      %dma_wait3A_595 = tpu.memref_squeeze %dma_wait3A_594 : memref<1x!tpu.dma_semaphore, #tpu.memory_space<semaphore_mem>> -> memref<!tpu.dma_semaphore, #tpu.memory_space<semaphore_mem>>
      %dma_wait3A_596 = arith.constant 0 : i32
      %dma_wait3A_597 = tpu.memref_slice %arg4[%mul3A_593, %dma_wait3A_596] : memref<100000x1024xf32, #tpu.memory_space<any>> -> memref<512x1024xf32, #tpu.memory_space<any>>
      tpu.wait_dma2 semaphore(%dma_wait3A_595 : memref<!tpu.dma_semaphore, #tpu.memory_space<semaphore_mem>>) src(%arg14 : memref<512x1024xf32, #tpu.memory_space<vmem>>) dst(%dma_wait3A_597 : memref<512x1024xf32, #tpu.memory_space<any>>)
    } else {
    }
    %get3A_382 = arith.constant 0 : index
    %get3A_383 = arith.constant 4608 : index
    %get3A_384 = vector.load %arg2[%get3A_382, %get3A_383] : memref<16x7168xf32, #tpu.memory_space<vmem>>, vector<16x512xf32>
    %swap3A_385 = arith.constant 0 : index
    %swap3A_386 = arith.constant 0 : index
    %swap3A_387 = vector.load %arg20[%swap3A_385, %swap3A_386] : memref<24x512xf32, #tpu.memory_space<vmem>>, vector<16x512xf32>
    tpu.vector_store %arg20[%swap3A_385, %swap3A_386], %get3A_384 {strides = array<i32>} : memref<24x512xf32, #tpu.memory_space<vmem>>, vector<16x512xf32>,
    %get3A_388 = arith.constant 0 : index
    %get3A_389 = arith.constant 4608 : index
    %get3A_390 = vector.load %arg3[%get3A_388, %get3A_389] : memref<1x7168xf32, #tpu.memory_space<vmem>>, vector<1x512xf32>
    %swap3A_391 = arith.constant 16 : index
    %swap3A_392 = arith.constant 0 : index
    %swap3A_393 = vector.load %arg20[%swap3A_391, %swap3A_392] : memref<24x512xf32, #tpu.memory_space<vmem>>, vector<1x512xf32>
    tpu.vector_store %arg20[%swap3A_391, %swap3A_392], %get3A_390 {strides = array<i32>} : memref<24x512xf32, #tpu.memory_space<vmem>>, vector<1x512xf32>,
    %get3A_394 = arith.constant 0 : index
    %get3A_395 = arith.constant 0 : index
    %get3A_396 = vector.load %arg20[%get3A_394, %get3A_395] : memref<24x512xf32, #tpu.memory_space<vmem>>, vector<24x512xf32>
    %get3A_397 = arith.constant 0 : index
    %get3A_398 = arith.constant 0 : index
    %get3A_399 = vector.load %arg19[%get3A_397, %get3A_398] : memref<24x1024xf32, #tpu.memory_space<vmem>>, vector<24x1024xf32>
    %dot_general3A_400 = arith.constant dense<0.000000e+00> : vector<512x1024xf32>
    %dot_general3A_401 = tpu.matmul %get3A_396, %get3A_399, %dot_general3A_400 {dimension_numbers = #tpu.dot_dimension_numbers<[0], [0], [1], [1], [0, 1, 1, 1], [], []>, transpose_lhs_hint = false} : vector<24x512xf32>, vector<24x1024xf32>, vector<512x1024xf32> -> vector<512x1024xf32>
    %swap3A_402 = arith.constant 0 : index
    %swap3A_403 = arith.constant 0 : index
    %swap3A_404 = vector.load %arg14[%swap3A_402, %swap3A_403] : memref<512x1024xf32, #tpu.memory_space<vmem>>, vector<512x1024xf32>
    tpu.vector_store %arg14[%swap3A_402, %swap3A_403], %dot_general3A_401 {strides = array<i32>} : memref<512x1024xf32, #tpu.memory_space<vmem>>, vector<512x1024xf32>,
    %mul3A_405 = arith.constant 512 : i32
    %mul3A_406 = arith.muli %add3A_376, %mul3A_405 : i32
    %dma_start3A_407 = arith.constant 9 : i32
    %dma_start3A_408 = tpu.memref_slice %arg21[%dma_start3A_407] : memref<14x!tpu.dma_semaphore, #tpu.memory_space<semaphore_mem>> -> memref<1x!tpu.dma_semaphore, #tpu.memory_space<semaphore_mem>>
    %dma_start3A_409 = tpu.memref_squeeze %dma_start3A_408 : memref<1x!tpu.dma_semaphore, #tpu.memory_space<semaphore_mem>> -> memref<!tpu.dma_semaphore, #tpu.memory_space<semaphore_mem>>
    %dma_start3A_410 = arith.constant 0 : i32
    %dma_start3A_411 = tpu.memref_slice %arg4[%mul3A_406, %dma_start3A_410] : memref<100000x1024xf32, #tpu.memory_space<any>> -> memref<512x1024xf32, #tpu.memory_space<any>>
    %dma_start3A_412 = arith.constant 0 : i32
    %dma_start3A_413 = arith.constant 0 : i32
    %dma_start3A_414 = tpu.memref_slice %arg14[%dma_start3A_412, %dma_start3A_413] : memref<512x1024xf32, #tpu.memory_space<vmem>> -> memref<512x1024xf32, #tpu.memory_space<vmem>>
    tpu.enqueue_dma source(%dma_start3A_414 : memref<512x1024xf32, #tpu.memory_space<vmem>>) target(%dma_start3A_411 : memref<512x1024xf32, #tpu.memory_space<any>>) target_semaphore(%dma_start3A_409 : memref<!tpu.dma_semaphore, #tpu.memory_space<semaphore_mem>>)
    %mul3A_415 = arith.constant 14 : i32
    %mul3A_416 = arith.muli %arg0, %mul3A_415 : i32
    %add3A_417 = arith.constant 10 : i32
    %add3A_418 = arith.addi %mul3A_416, %add3A_417 : i32
    %gt3A_419 = arith.constant 0 : i32
    %gt3A_420 = arith.cmpi sgt, %arg0, %gt3A_419 : i32
    %convert_element_type3A_421 = arith.extui %gt3A_420 : i1 to i32
    %cond3A_422 = arith.constant 0 : i32
    %cond3A_423 = arith.cmpi ne, %convert_element_type3A_421, %cond3A_422 : i32
    scf.if %cond3A_423 {
      %sub3A = arith.constant 1 : i32
      %sub3A_587 = arith.subi %arg0, %sub3A : i32
      %mul3A_588 = arith.constant 14 : i32
      %mul3A_589 = arith.muli %sub3A_587, %mul3A_588 : i32
      %add3A_590 = arith.constant 10 : i32
      %add3A_591 = arith.addi %mul3A_589, %add3A_590 : i32
      %mul3A_592 = arith.constant 512 : i32
      %mul3A_593 = arith.muli %add3A_591, %mul3A_592 : i32
      %dma_wait3A = arith.constant 10 : i32
      %dma_wait3A_594 = tpu.memref_slice %arg21[%dma_wait3A] : memref<14x!tpu.dma_semaphore, #tpu.memory_space<semaphore_mem>> -> memref<1x!tpu.dma_semaphore, #tpu.memory_space<semaphore_mem>>
      %dma_wait3A_595 = tpu.memref_squeeze %dma_wait3A_594 : memref<1x!tpu.dma_semaphore, #tpu.memory_space<semaphore_mem>> -> memref<!tpu.dma_semaphore, #tpu.memory_space<semaphore_mem>>
      %dma_wait3A_596 = arith.constant 0 : i32
      %dma_wait3A_597 = tpu.memref_slice %arg4[%mul3A_593, %dma_wait3A_596] : memref<100000x1024xf32, #tpu.memory_space<any>> -> memref<512x1024xf32, #tpu.memory_space<any>>
      tpu.wait_dma2 semaphore(%dma_wait3A_595 : memref<!tpu.dma_semaphore, #tpu.memory_space<semaphore_mem>>) src(%arg15 : memref<512x1024xf32, #tpu.memory_space<vmem>>) dst(%dma_wait3A_597 : memref<512x1024xf32, #tpu.memory_space<any>>)
    } else {
    }
    %get3A_424 = arith.constant 0 : index
    %get3A_425 = arith.constant 5120 : index
    %get3A_426 = vector.load %arg2[%get3A_424, %get3A_425] : memref<16x7168xf32, #tpu.memory_space<vmem>>, vector<16x512xf32>
    %swap3A_427 = arith.constant 0 : index
    %swap3A_428 = arith.constant 0 : index
    %swap3A_429 = vector.load %arg20[%swap3A_427, %swap3A_428] : memref<24x512xf32, #tpu.memory_space<vmem>>, vector<16x512xf32>
    tpu.vector_store %arg20[%swap3A_427, %swap3A_428], %get3A_426 {strides = array<i32>} : memref<24x512xf32, #tpu.memory_space<vmem>>, vector<16x512xf32>,
    %get3A_430 = arith.constant 0 : index
    %get3A_431 = arith.constant 5120 : index
    %get3A_432 = vector.load %arg3[%get3A_430, %get3A_431] : memref<1x7168xf32, #tpu.memory_space<vmem>>, vector<1x512xf32>
    %swap3A_433 = arith.constant 16 : index
    %swap3A_434 = arith.constant 0 : index
    %swap3A_435 = vector.load %arg20[%swap3A_433, %swap3A_434] : memref<24x512xf32, #tpu.memory_space<vmem>>, vector<1x512xf32>
    tpu.vector_store %arg20[%swap3A_433, %swap3A_434], %get3A_432 {strides = array<i32>} : memref<24x512xf32, #tpu.memory_space<vmem>>, vector<1x512xf32>,
    %get3A_436 = arith.constant 0 : index
    %get3A_437 = arith.constant 0 : index
    %get3A_438 = vector.load %arg20[%get3A_436, %get3A_437] : memref<24x512xf32, #tpu.memory_space<vmem>>, vector<24x512xf32>
    %get3A_439 = arith.constant 0 : index
    %get3A_440 = arith.constant 0 : index
    %get3A_441 = vector.load %arg19[%get3A_439, %get3A_440] : memref<24x1024xf32, #tpu.memory_space<vmem>>, vector<24x1024xf32>
    %dot_general3A_442 = arith.constant dense<0.000000e+00> : vector<512x1024xf32>
    %dot_general3A_443 = tpu.matmul %get3A_438, %get3A_441, %dot_general3A_442 {dimension_numbers = #tpu.dot_dimension_numbers<[0], [0], [1], [1], [0, 1, 1, 1], [], []>, transpose_lhs_hint = false} : vector<24x512xf32>, vector<24x1024xf32>, vector<512x1024xf32> -> vector<512x1024xf32>
    %swap3A_444 = arith.constant 0 : index
    %swap3A_445 = arith.constant 0 : index
    %swap3A_446 = vector.load %arg15[%swap3A_444, %swap3A_445] : memref<512x1024xf32, #tpu.memory_space<vmem>>, vector<512x1024xf32>
    tpu.vector_store %arg15[%swap3A_444, %swap3A_445], %dot_general3A_443 {strides = array<i32>} : memref<512x1024xf32, #tpu.memory_space<vmem>>, vector<512x1024xf32>,
    %mul3A_447 = arith.constant 512 : i32
    %mul3A_448 = arith.muli %add3A_418, %mul3A_447 : i32
    %dma_start3A_449 = arith.constant 10 : i32
    %dma_start3A_450 = tpu.memref_slice %arg21[%dma_start3A_449] : memref<14x!tpu.dma_semaphore, #tpu.memory_space<semaphore_mem>> -> memref<1x!tpu.dma_semaphore, #tpu.memory_space<semaphore_mem>>
    %dma_start3A_451 = tpu.memref_squeeze %dma_start3A_450 : memref<1x!tpu.dma_semaphore, #tpu.memory_space<semaphore_mem>> -> memref<!tpu.dma_semaphore, #tpu.memory_space<semaphore_mem>>
    %dma_start3A_452 = arith.constant 0 : i32
    %dma_start3A_453 = tpu.memref_slice %arg4[%mul3A_448, %dma_start3A_452] : memref<100000x1024xf32, #tpu.memory_space<any>> -> memref<512x1024xf32, #tpu.memory_space<any>>
    %dma_start3A_454 = arith.constant 0 : i32
    %dma_start3A_455 = arith.constant 0 : i32
    %dma_start3A_456 = tpu.memref_slice %arg15[%dma_start3A_454, %dma_start3A_455] : memref<512x1024xf32, #tpu.memory_space<vmem>> -> memref<512x1024xf32, #tpu.memory_space<vmem>>
    tpu.enqueue_dma source(%dma_start3A_456 : memref<512x1024xf32, #tpu.memory_space<vmem>>) target(%dma_start3A_453 : memref<512x1024xf32, #tpu.memory_space<any>>) target_semaphore(%dma_start3A_451 : memref<!tpu.dma_semaphore, #tpu.memory_space<semaphore_mem>>)
    %mul3A_457 = arith.constant 14 : i32
    %mul3A_458 = arith.muli %arg0, %mul3A_457 : i32
    %add3A_459 = arith.constant 11 : i32
    %add3A_460 = arith.addi %mul3A_458, %add3A_459 : i32
    %gt3A_461 = arith.constant 0 : i32
    %gt3A_462 = arith.cmpi sgt, %arg0, %gt3A_461 : i32
    %convert_element_type3A_463 = arith.extui %gt3A_462 : i1 to i32
    %cond3A_464 = arith.constant 0 : i32
    %cond3A_465 = arith.cmpi ne, %convert_element_type3A_463, %cond3A_464 : i32
    scf.if %cond3A_465 {
      %sub3A = arith.constant 1 : i32
      %sub3A_587 = arith.subi %arg0, %sub3A : i32
      %mul3A_588 = arith.constant 14 : i32
      %mul3A_589 = arith.muli %sub3A_587, %mul3A_588 : i32
      %add3A_590 = arith.constant 11 : i32
      %add3A_591 = arith.addi %mul3A_589, %add3A_590 : i32
      %mul3A_592 = arith.constant 512 : i32
      %mul3A_593 = arith.muli %add3A_591, %mul3A_592 : i32
      %dma_wait3A = arith.constant 11 : i32
      %dma_wait3A_594 = tpu.memref_slice %arg21[%dma_wait3A] : memref<14x!tpu.dma_semaphore, #tpu.memory_space<semaphore_mem>> -> memref<1x!tpu.dma_semaphore, #tpu.memory_space<semaphore_mem>>
      %dma_wait3A_595 = tpu.memref_squeeze %dma_wait3A_594 : memref<1x!tpu.dma_semaphore, #tpu.memory_space<semaphore_mem>> -> memref<!tpu.dma_semaphore, #tpu.memory_space<semaphore_mem>>
      %dma_wait3A_596 = arith.constant 0 : i32
      %dma_wait3A_597 = tpu.memref_slice %arg4[%mul3A_593, %dma_wait3A_596] : memref<100000x1024xf32, #tpu.memory_space<any>> -> memref<512x1024xf32, #tpu.memory_space<any>>
      tpu.wait_dma2 semaphore(%dma_wait3A_595 : memref<!tpu.dma_semaphore, #tpu.memory_space<semaphore_mem>>) src(%arg16 : memref<512x1024xf32, #tpu.memory_space<vmem>>) dst(%dma_wait3A_597 : memref<512x1024xf32, #tpu.memory_space<any>>)
    } else {
    }
    %get3A_466 = arith.constant 0 : index
    %get3A_467 = arith.constant 5632 : index
    %get3A_468 = vector.load %arg2[%get3A_466, %get3A_467] : memref<16x7168xf32, #tpu.memory_space<vmem>>, vector<16x512xf32>
    %swap3A_469 = arith.constant 0 : index
    %swap3A_470 = arith.constant 0 : index
    %swap3A_471 = vector.load %arg20[%swap3A_469, %swap3A_470] : memref<24x512xf32, #tpu.memory_space<vmem>>, vector<16x512xf32>
    tpu.vector_store %arg20[%swap3A_469, %swap3A_470], %get3A_468 {strides = array<i32>} : memref<24x512xf32, #tpu.memory_space<vmem>>, vector<16x512xf32>,
    %get3A_472 = arith.constant 0 : index
    %get3A_473 = arith.constant 5632 : index
    %get3A_474 = vector.load %arg3[%get3A_472, %get3A_473] : memref<1x7168xf32, #tpu.memory_space<vmem>>, vector<1x512xf32>
    %swap3A_475 = arith.constant 16 : index
    %swap3A_476 = arith.constant 0 : index
    %swap3A_477 = vector.load %arg20[%swap3A_475, %swap3A_476] : memref<24x512xf32, #tpu.memory_space<vmem>>, vector<1x512xf32>
    tpu.vector_store %arg20[%swap3A_475, %swap3A_476], %get3A_474 {strides = array<i32>} : memref<24x512xf32, #tpu.memory_space<vmem>>, vector<1x512xf32>,
    %get3A_478 = arith.constant 0 : index
    %get3A_479 = arith.constant 0 : index
    %get3A_480 = vector.load %arg20[%get3A_478, %get3A_479] : memref<24x512xf32, #tpu.memory_space<vmem>>, vector<24x512xf32>
    %get3A_481 = arith.constant 0 : index
    %get3A_482 = arith.constant 0 : index
    %get3A_483 = vector.load %arg19[%get3A_481, %get3A_482] : memref<24x1024xf32, #tpu.memory_space<vmem>>, vector<24x1024xf32>
    %dot_general3A_484 = arith.constant dense<0.000000e+00> : vector<512x1024xf32>
    %dot_general3A_485 = tpu.matmul %get3A_480, %get3A_483, %dot_general3A_484 {dimension_numbers = #tpu.dot_dimension_numbers<[0], [0], [1], [1], [0, 1, 1, 1], [], []>, transpose_lhs_hint = false} : vector<24x512xf32>, vector<24x1024xf32>, vector<512x1024xf32> -> vector<512x1024xf32>
    %swap3A_486 = arith.constant 0 : index
    %swap3A_487 = arith.constant 0 : index
    %swap3A_488 = vector.load %arg16[%swap3A_486, %swap3A_487] : memref<512x1024xf32, #tpu.memory_space<vmem>>, vector<512x1024xf32>
    tpu.vector_store %arg16[%swap3A_486, %swap3A_487], %dot_general3A_485 {strides = array<i32>} : memref<512x1024xf32, #tpu.memory_space<vmem>>, vector<512x1024xf32>,
    %mul3A_489 = arith.constant 512 : i32
    %mul3A_490 = arith.muli %add3A_460, %mul3A_489 : i32
    %dma_start3A_491 = arith.constant 11 : i32
    %dma_start3A_492 = tpu.memref_slice %arg21[%dma_start3A_491] : memref<14x!tpu.dma_semaphore, #tpu.memory_space<semaphore_mem>> -> memref<1x!tpu.dma_semaphore, #tpu.memory_space<semaphore_mem>>
    %dma_start3A_493 = tpu.memref_squeeze %dma_start3A_492 : memref<1x!tpu.dma_semaphore, #tpu.memory_space<semaphore_mem>> -> memref<!tpu.dma_semaphore, #tpu.memory_space<semaphore_mem>>
    %dma_start3A_494 = arith.constant 0 : i32
    %dma_start3A_495 = tpu.memref_slice %arg4[%mul3A_490, %dma_start3A_494] : memref<100000x1024xf32, #tpu.memory_space<any>> -> memref<512x1024xf32, #tpu.memory_space<any>>
    %dma_start3A_496 = arith.constant 0 : i32
    %dma_start3A_497 = arith.constant 0 : i32
    %dma_start3A_498 = tpu.memref_slice %arg16[%dma_start3A_496, %dma_start3A_497] : memref<512x1024xf32, #tpu.memory_space<vmem>> -> memref<512x1024xf32, #tpu.memory_space<vmem>>
    tpu.enqueue_dma source(%dma_start3A_498 : memref<512x1024xf32, #tpu.memory_space<vmem>>) target(%dma_start3A_495 : memref<512x1024xf32, #tpu.memory_space<any>>) target_semaphore(%dma_start3A_493 : memref<!tpu.dma_semaphore, #tpu.memory_space<semaphore_mem>>)
    %mul3A_499 = arith.constant 14 : i32
    %mul3A_500 = arith.muli %arg0, %mul3A_499 : i32
    %add3A_501 = arith.constant 12 : i32
    %add3A_502 = arith.addi %mul3A_500, %add3A_501 : i32
    %gt3A_503 = arith.constant 0 : i32
    %gt3A_504 = arith.cmpi sgt, %arg0, %gt3A_503 : i32
    %convert_element_type3A_505 = arith.extui %gt3A_504 : i1 to i32
    %cond3A_506 = arith.constant 0 : i32
    %cond3A_507 = arith.cmpi ne, %convert_element_type3A_505, %cond3A_506 : i32
    scf.if %cond3A_507 {
      %sub3A = arith.constant 1 : i32
      %sub3A_587 = arith.subi %arg0, %sub3A : i32
      %mul3A_588 = arith.constant 14 : i32
      %mul3A_589 = arith.muli %sub3A_587, %mul3A_588 : i32
      %add3A_590 = arith.constant 12 : i32
      %add3A_591 = arith.addi %mul3A_589, %add3A_590 : i32
      %mul3A_592 = arith.constant 512 : i32
      %mul3A_593 = arith.muli %add3A_591, %mul3A_592 : i32
      %dma_wait3A = arith.constant 12 : i32
      %dma_wait3A_594 = tpu.memref_slice %arg21[%dma_wait3A] : memref<14x!tpu.dma_semaphore, #tpu.memory_space<semaphore_mem>> -> memref<1x!tpu.dma_semaphore, #tpu.memory_space<semaphore_mem>>
      %dma_wait3A_595 = tpu.memref_squeeze %dma_wait3A_594 : memref<1x!tpu.dma_semaphore, #tpu.memory_space<semaphore_mem>> -> memref<!tpu.dma_semaphore, #tpu.memory_space<semaphore_mem>>
      %dma_wait3A_596 = arith.constant 0 : i32
      %dma_wait3A_597 = tpu.memref_slice %arg4[%mul3A_593, %dma_wait3A_596] : memref<100000x1024xf32, #tpu.memory_space<any>> -> memref<512x1024xf32, #tpu.memory_space<any>>
      tpu.wait_dma2 semaphore(%dma_wait3A_595 : memref<!tpu.dma_semaphore, #tpu.memory_space<semaphore_mem>>) src(%arg17 : memref<512x1024xf32, #tpu.memory_space<vmem>>) dst(%dma_wait3A_597 : memref<512x1024xf32, #tpu.memory_space<any>>)
    } else {
    }
    %get3A_508 = arith.constant 0 : index
    %get3A_509 = arith.constant 6144 : index
    %get3A_510 = vector.load %arg2[%get3A_508, %get3A_509] : memref<16x7168xf32, #tpu.memory_space<vmem>>, vector<16x512xf32>
    %swap3A_511 = arith.constant 0 : index
    %swap3A_512 = arith.constant 0 : index
    %swap3A_513 = vector.load %arg20[%swap3A_511, %swap3A_512] : memref<24x512xf32, #tpu.memory_space<vmem>>, vector<16x512xf32>
    tpu.vector_store %arg20[%swap3A_511, %swap3A_512], %get3A_510 {strides = array<i32>} : memref<24x512xf32, #tpu.memory_space<vmem>>, vector<16x512xf32>,
    %get3A_514 = arith.constant 0 : index
    %get3A_515 = arith.constant 6144 : index
    %get3A_516 = vector.load %arg3[%get3A_514, %get3A_515] : memref<1x7168xf32, #tpu.memory_space<vmem>>, vector<1x512xf32>
    %swap3A_517 = arith.constant 16 : index
    %swap3A_518 = arith.constant 0 : index
    %swap3A_519 = vector.load %arg20[%swap3A_517, %swap3A_518] : memref<24x512xf32, #tpu.memory_space<vmem>>, vector<1x512xf32>
    tpu.vector_store %arg20[%swap3A_517, %swap3A_518], %get3A_516 {strides = array<i32>} : memref<24x512xf32, #tpu.memory_space<vmem>>, vector<1x512xf32>,
    %get3A_520 = arith.constant 0 : index
    %get3A_521 = arith.constant 0 : index
    %get3A_522 = vector.load %arg20[%get3A_520, %get3A_521] : memref<24x512xf32, #tpu.memory_space<vmem>>, vector<24x512xf32>
    %get3A_523 = arith.constant 0 : index
    %get3A_524 = arith.constant 0 : index
    %get3A_525 = vector.load %arg19[%get3A_523, %get3A_524] : memref<24x1024xf32, #tpu.memory_space<vmem>>, vector<24x1024xf32>
    %dot_general3A_526 = arith.constant dense<0.000000e+00> : vector<512x1024xf32>
    %dot_general3A_527 = tpu.matmul %get3A_522, %get3A_525, %dot_general3A_526 {dimension_numbers = #tpu.dot_dimension_numbers<[0], [0], [1], [1], [0, 1, 1, 1], [], []>, transpose_lhs_hint = false} : vector<24x512xf32>, vector<24x1024xf32>, vector<512x1024xf32> -> vector<512x1024xf32>
    %swap3A_528 = arith.constant 0 : index
    %swap3A_529 = arith.constant 0 : index
    %swap3A_530 = vector.load %arg17[%swap3A_528, %swap3A_529] : memref<512x1024xf32, #tpu.memory_space<vmem>>, vector<512x1024xf32>
    tpu.vector_store %arg17[%swap3A_528, %swap3A_529], %dot_general3A_527 {strides = array<i32>} : memref<512x1024xf32, #tpu.memory_space<vmem>>, vector<512x1024xf32>,
    %mul3A_531 = arith.constant 512 : i32
    %mul3A_532 = arith.muli %add3A_502, %mul3A_531 : i32
    %dma_start3A_533 = arith.constant 12 : i32
    %dma_start3A_534 = tpu.memref_slice %arg21[%dma_start3A_533] : memref<14x!tpu.dma_semaphore, #tpu.memory_space<semaphore_mem>> -> memref<1x!tpu.dma_semaphore, #tpu.memory_space<semaphore_mem>>
    %dma_start3A_535 = tpu.memref_squeeze %dma_start3A_534 : memref<1x!tpu.dma_semaphore, #tpu.memory_space<semaphore_mem>> -> memref<!tpu.dma_semaphore, #tpu.memory_space<semaphore_mem>>
    %dma_start3A_536 = arith.constant 0 : i32
    %dma_start3A_537 = tpu.memref_slice %arg4[%mul3A_532, %dma_start3A_536] : memref<100000x1024xf32, #tpu.memory_space<any>> -> memref<512x1024xf32, #tpu.memory_space<any>>
    %dma_start3A_538 = arith.constant 0 : i32
    %dma_start3A_539 = arith.constant 0 : i32
    %dma_start3A_540 = tpu.memref_slice %arg17[%dma_start3A_538, %dma_start3A_539] : memref<512x1024xf32, #tpu.memory_space<vmem>> -> memref<512x1024xf32, #tpu.memory_space<vmem>>
    tpu.enqueue_dma source(%dma_start3A_540 : memref<512x1024xf32, #tpu.memory_space<vmem>>) target(%dma_start3A_537 : memref<512x1024xf32, #tpu.memory_space<any>>) target_semaphore(%dma_start3A_535 : memref<!tpu.dma_semaphore, #tpu.memory_space<semaphore_mem>>)
    %mul3A_541 = arith.constant 14 : i32
    %mul3A_542 = arith.muli %arg0, %mul3A_541 : i32
    %add3A_543 = arith.constant 13 : i32
    %add3A_544 = arith.addi %mul3A_542, %add3A_543 : i32
    %gt3A_545 = arith.constant 0 : i32
    %gt3A_546 = arith.cmpi sgt, %arg0, %gt3A_545 : i32
    %convert_element_type3A_547 = arith.extui %gt3A_546 : i1 to i32
    %cond3A_548 = arith.constant 0 : i32
    %cond3A_549 = arith.cmpi ne, %convert_element_type3A_547, %cond3A_548 : i32
    scf.if %cond3A_549 {
      %sub3A = arith.constant 1 : i32
      %sub3A_587 = arith.subi %arg0, %sub3A : i32
      %mul3A_588 = arith.constant 14 : i32
      %mul3A_589 = arith.muli %sub3A_587, %mul3A_588 : i32
      %add3A_590 = arith.constant 13 : i32
      %add3A_591 = arith.addi %mul3A_589, %add3A_590 : i32
      %mul3A_592 = arith.constant 512 : i32
      %mul3A_593 = arith.muli %add3A_591, %mul3A_592 : i32
      %dma_wait3A = arith.constant 13 : i32
      %dma_wait3A_594 = tpu.memref_slice %arg21[%dma_wait3A] : memref<14x!tpu.dma_semaphore, #tpu.memory_space<semaphore_mem>> -> memref<1x!tpu.dma_semaphore, #tpu.memory_space<semaphore_mem>>
      %dma_wait3A_595 = tpu.memref_squeeze %dma_wait3A_594 : memref<1x!tpu.dma_semaphore, #tpu.memory_space<semaphore_mem>> -> memref<!tpu.dma_semaphore, #tpu.memory_space<semaphore_mem>>
      %dma_wait3A_596 = arith.constant 0 : i32
      %dma_wait3A_597 = tpu.memref_slice %arg4[%mul3A_593, %dma_wait3A_596] : memref<100000x1024xf32, #tpu.memory_space<any>> -> memref<512x1024xf32, #tpu.memory_space<any>>
      tpu.wait_dma2 semaphore(%dma_wait3A_595 : memref<!tpu.dma_semaphore, #tpu.memory_space<semaphore_mem>>) src(%arg18 : memref<512x1024xf32, #tpu.memory_space<vmem>>) dst(%dma_wait3A_597 : memref<512x1024xf32, #tpu.memory_space<any>>)
    } else {
    }
    %get3A_550 = arith.constant 0 : index
    %get3A_551 = arith.constant 6656 : index
    %get3A_552 = vector.load %arg2[%get3A_550, %get3A_551] : memref<16x7168xf32, #tpu.memory_space<vmem>>, vector<16x512xf32>
    %swap3A_553 = arith.constant 0 : index
    %swap3A_554 = arith.constant 0 : index
    %swap3A_555 = vector.load %arg20[%swap3A_553, %swap3A_554] : memref<24x512xf32, #tpu.memory_space<vmem>>, vector<16x512xf32>
    tpu.vector_store %arg20[%swap3A_553, %swap3A_554], %get3A_552 {strides = array<i32>} : memref<24x512xf32, #tpu.memory_space<vmem>>, vector<16x512xf32>,
    %get3A_556 = arith.constant 0 : index
    %get3A_557 = arith.constant 6656 : index
    %get3A_558 = vector.load %arg3[%get3A_556, %get3A_557] : memref<1x7168xf32, #tpu.memory_space<vmem>>, vector<1x512xf32>
    %swap3A_559 = arith.constant 16 : index
    %swap3A_560 = arith.constant 0 : index
    %swap3A_561 = vector.load %arg20[%swap3A_559, %swap3A_560] : memref<24x512xf32, #tpu.memory_space<vmem>>, vector<1x512xf32>
    tpu.vector_store %arg20[%swap3A_559, %swap3A_560], %get3A_558 {strides = array<i32>} : memref<24x512xf32, #tpu.memory_space<vmem>>, vector<1x512xf32>,
    %get3A_562 = arith.constant 0 : index
    %get3A_563 = arith.constant 0 : index
    %get3A_564 = vector.load %arg20[%get3A_562, %get3A_563] : memref<24x512xf32, #tpu.memory_space<vmem>>, vector<24x512xf32>
    %get3A_565 = arith.constant 0 : index
    %get3A_566 = arith.constant 0 : index
    %get3A_567 = vector.load %arg19[%get3A_565, %get3A_566] : memref<24x1024xf32, #tpu.memory_space<vmem>>, vector<24x1024xf32>
    %dot_general3A_568 = arith.constant dense<0.000000e+00> : vector<512x1024xf32>
    %dot_general3A_569 = tpu.matmul %get3A_564, %get3A_567, %dot_general3A_568 {dimension_numbers = #tpu.dot_dimension_numbers<[0], [0], [1], [1], [0, 1, 1, 1], [], []>, transpose_lhs_hint = false} : vector<24x512xf32>, vector<24x1024xf32>, vector<512x1024xf32> -> vector<512x1024xf32>
    %swap3A_570 = arith.constant 0 : index
    %swap3A_571 = arith.constant 0 : index
    %swap3A_572 = vector.load %arg18[%swap3A_570, %swap3A_571] : memref<512x1024xf32, #tpu.memory_space<vmem>>, vector<512x1024xf32>
    tpu.vector_store %arg18[%swap3A_570, %swap3A_571], %dot_general3A_569 {strides = array<i32>} : memref<512x1024xf32, #tpu.memory_space<vmem>>, vector<512x1024xf32>,
    %lt3A = arith.constant 13 : i32
    %lt3A_573 = arith.cmpi slt, %arg0, %lt3A : i32
    %convert_element_type3A_574 = arith.extui %lt3A_573 : i1 to i32
    %cond3A_575 = arith.constant 0 : i32
    %cond3A_576 = arith.cmpi ne, %convert_element_type3A_574, %cond3A_575 : i32
    scf.if %cond3A_576 {
      %mul3A_587 = arith.constant 512 : i32
      %mul3A_588 = arith.muli %add3A_544, %mul3A_587 : i32
      %dma_start3A_589 = arith.constant 13 : i32
      %dma_start3A_590 = tpu.memref_slice %arg21[%dma_start3A_589] : memref<14x!tpu.dma_semaphore, #tpu.memory_space<semaphore_mem>> -> memref<1x!tpu.dma_semaphore, #tpu.memory_space<semaphore_mem>>
      %dma_start3A_591 = tpu.memref_squeeze %dma_start3A_590 : memref<1x!tpu.dma_semaphore, #tpu.memory_space<semaphore_mem>> -> memref<!tpu.dma_semaphore, #tpu.memory_space<semaphore_mem>>
      %dma_start3A_592 = arith.constant 0 : i32
      %dma_start3A_593 = tpu.memref_slice %arg4[%mul3A_588, %dma_start3A_592] : memref<100000x1024xf32, #tpu.memory_space<any>> -> memref<512x1024xf32, #tpu.memory_space<any>>
      %dma_start3A_594 = arith.constant 0 : i32
      %dma_start3A_595 = arith.constant 0 : i32
      %dma_start3A_596 = tpu.memref_slice %arg18[%dma_start3A_594, %dma_start3A_595] : memref<512x1024xf32, #tpu.memory_space<vmem>> -> memref<512x1024xf32, #tpu.memory_space<vmem>>
      tpu.enqueue_dma source(%dma_start3A_596 : memref<512x1024xf32, #tpu.memory_space<vmem>>) target(%dma_start3A_593 : memref<512x1024xf32, #tpu.memory_space<any>>) target_semaphore(%dma_start3A_591 : memref<!tpu.dma_semaphore, #tpu.memory_space<semaphore_mem>>)
    } else {
    }
    %eq3A_577 = arith.constant 13 : i32
    %eq3A_578 = arith.cmpi eq, %arg0, %eq3A_577 : i32
    %convert_element_type3A_579 = arith.extui %eq3A_578 : i1 to i32
    %cond3A_580 = arith.constant 0 : i32
    %cond3A_581 = arith.cmpi ne, %convert_element_type3A_579, %cond3A_580 : i32
    scf.if %cond3A_581 {
      %mul3A_587 = arith.constant 512 : i32
      %mul3A_588 = arith.muli %add3A_544, %mul3A_587 : i32
      %dma_start3A_589 = arith.constant 13 : i32
      %dma_start3A_590 = tpu.memref_slice %arg21[%dma_start3A_589] : memref<14x!tpu.dma_semaphore, #tpu.memory_space<semaphore_mem>> -> memref<1x!tpu.dma_semaphore, #tpu.memory_space<semaphore_mem>>
      %dma_start3A_591 = tpu.memref_squeeze %dma_start3A_590 : memref<1x!tpu.dma_semaphore, #tpu.memory_space<semaphore_mem>> -> memref<!tpu.dma_semaphore, #tpu.memory_space<semaphore_mem>>
      %dma_start3A_592 = arith.constant 0 : i32
      %dma_start3A_593 = tpu.memref_slice %arg4[%mul3A_588, %dma_start3A_592] : memref<100000x1024xf32, #tpu.memory_space<any>> -> memref<160x1024xf32, #tpu.memory_space<any>>
      %dma_start3A_594 = arith.constant 0 : i32
      %dma_start3A_595 = arith.constant 0 : i32
      %dma_start3A_596 = tpu.memref_slice %arg18[%dma_start3A_594, %dma_start3A_595] : memref<512x1024xf32, #tpu.memory_space<vmem>> -> memref<160x1024xf32, #tpu.memory_space<vmem>>
      tpu.enqueue_dma source(%dma_start3A_596 : memref<160x1024xf32, #tpu.memory_space<vmem>>) target(%dma_start3A_593 : memref<160x1024xf32, #tpu.memory_space<any>>) target_semaphore(%dma_start3A_591 : memref<!tpu.dma_semaphore, #tpu.memory_space<semaphore_mem>>)
    } else {
    }
    %eq3A_582 = arith.constant 13 : i32
    %eq3A_583 = arith.cmpi eq, %arg0, %eq3A_582 : i32
    %convert_element_type3A_584 = arith.extui %eq3A_583 : i1 to i32
    %cond3A_585 = arith.constant 0 : i32
    %cond3A_586 = arith.cmpi ne, %convert_element_type3A_584, %cond3A_585 : i32
    scf.if %cond3A_586 {
      %mul3A_587 = arith.constant 14 : i32
      %mul3A_588 = arith.muli %arg0, %mul3A_587 : i32
      %add3A_589 = arith.constant 0 : i32
      %add3A_590 = arith.addi %mul3A_588, %add3A_589 : i32
      %mul3A_591 = arith.constant 512 : i32
      %mul3A_592 = arith.muli %add3A_590, %mul3A_591 : i32
      %dma_wait3A = arith.constant 0 : i32
      %dma_wait3A_593 = tpu.memref_slice %arg21[%dma_wait3A] : memref<14x!tpu.dma_semaphore, #tpu.memory_space<semaphore_mem>> -> memref<1x!tpu.dma_semaphore, #tpu.memory_space<semaphore_mem>>
      %dma_wait3A_594 = tpu.memref_squeeze %dma_wait3A_593 : memref<1x!tpu.dma_semaphore, #tpu.memory_space<semaphore_mem>> -> memref<!tpu.dma_semaphore, #tpu.memory_space<semaphore_mem>>
      %dma_wait3A_595 = arith.constant 0 : i32
      %dma_wait3A_596 = tpu.memref_slice %arg4[%mul3A_592, %dma_wait3A_595] : memref<100000x1024xf32, #tpu.memory_space<any>> -> memref<512x1024xf32, #tpu.memory_space<any>>
      %dma_wait3A_597 = arith.constant 0 : i32
      %dma_wait3A_598 = arith.constant 0 : i32
      %dma_wait3A_599 = tpu.memref_slice %arg5[%dma_wait3A_597, %dma_wait3A_598] : memref<512x1024xf32, #tpu.memory_space<vmem>> -> memref<512x1024xf32, #tpu.memory_space<vmem>>
      tpu.wait_dma2 semaphore(%dma_wait3A_594 : memref<!tpu.dma_semaphore, #tpu.memory_space<semaphore_mem>>) src(%dma_wait3A_599 : memref<512x1024xf32, #tpu.memory_space<vmem>>) dst(%dma_wait3A_596 : memref<512x1024xf32, #tpu.memory_space<any>>)
      %mul3A_600 = arith.constant 14 : i32
      %mul3A_601 = arith.muli %arg0, %mul3A_600 : i32
      %add3A_602 = arith.constant 1 : i32
      %add3A_603 = arith.addi %mul3A_601, %add3A_602 : i32
      %mul3A_604 = arith.constant 512 : i32
      %mul3A_605 = arith.muli %add3A_603, %mul3A_604 : i32
      %dma_wait3A_606 = arith.constant 1 : i32
      %dma_wait3A_607 = tpu.memref_slice %arg21[%dma_wait3A_606] : memref<14x!tpu.dma_semaphore, #tpu.memory_space<semaphore_mem>> -> memref<1x!tpu.dma_semaphore, #tpu.memory_space<semaphore_mem>>
      %dma_wait3A_608 = tpu.memref_squeeze %dma_wait3A_607 : memref<1x!tpu.dma_semaphore, #tpu.memory_space<semaphore_mem>> -> memref<!tpu.dma_semaphore, #tpu.memory_space<semaphore_mem>>
      %dma_wait3A_609 = arith.constant 0 : i32
      %dma_wait3A_610 = tpu.memref_slice %arg4[%mul3A_605, %dma_wait3A_609] : memref<100000x1024xf32, #tpu.memory_space<any>> -> memref<512x1024xf32, #tpu.memory_space<any>>
      %dma_wait3A_611 = arith.constant 0 : i32
      %dma_wait3A_612 = arith.constant 0 : i32
      %dma_wait3A_613 = tpu.memref_slice %arg6[%dma_wait3A_611, %dma_wait3A_612] : memref<512x1024xf32, #tpu.memory_space<vmem>> -> memref<512x1024xf32, #tpu.memory_space<vmem>>
      tpu.wait_dma2 semaphore(%dma_wait3A_608 : memref<!tpu.dma_semaphore, #tpu.memory_space<semaphore_mem>>) src(%dma_wait3A_613 : memref<512x1024xf32, #tpu.memory_space<vmem>>) dst(%dma_wait3A_610 : memref<512x1024xf32, #tpu.memory_space<any>>)
      %mul3A_614 = arith.constant 14 : i32
      %mul3A_615 = arith.muli %arg0, %mul3A_614 : i32
      %add3A_616 = arith.constant 2 : i32
      %add3A_617 = arith.addi %mul3A_615, %add3A_616 : i32
      %mul3A_618 = arith.constant 512 : i32
      %mul3A_619 = arith.muli %add3A_617, %mul3A_618 : i32
      %dma_wait3A_620 = arith.constant 2 : i32
      %dma_wait3A_621 = tpu.memref_slice %arg21[%dma_wait3A_620] : memref<14x!tpu.dma_semaphore, #tpu.memory_space<semaphore_mem>> -> memref<1x!tpu.dma_semaphore, #tpu.memory_space<semaphore_mem>>
      %dma_wait3A_622 = tpu.memref_squeeze %dma_wait3A_621 : memref<1x!tpu.dma_semaphore, #tpu.memory_space<semaphore_mem>> -> memref<!tpu.dma_semaphore, #tpu.memory_space<semaphore_mem>>
      %dma_wait3A_623 = arith.constant 0 : i32
      %dma_wait3A_624 = tpu.memref_slice %arg4[%mul3A_619, %dma_wait3A_623] : memref<100000x1024xf32, #tpu.memory_space<any>> -> memref<512x1024xf32, #tpu.memory_space<any>>
      %dma_wait3A_625 = arith.constant 0 : i32
      %dma_wait3A_626 = arith.constant 0 : i32
      %dma_wait3A_627 = tpu.memref_slice %arg7[%dma_wait3A_625, %dma_wait3A_626] : memref<512x1024xf32, #tpu.memory_space<vmem>> -> memref<512x1024xf32, #tpu.memory_space<vmem>>
      tpu.wait_dma2 semaphore(%dma_wait3A_622 : memref<!tpu.dma_semaphore, #tpu.memory_space<semaphore_mem>>) src(%dma_wait3A_627 : memref<512x1024xf32, #tpu.memory_space<vmem>>) dst(%dma_wait3A_624 : memref<512x1024xf32, #tpu.memory_space<any>>)
      %mul3A_628 = arith.constant 14 : i32
      %mul3A_629 = arith.muli %arg0, %mul3A_628 : i32
      %add3A_630 = arith.constant 3 : i32
      %add3A_631 = arith.addi %mul3A_629, %add3A_630 : i32
      %mul3A_632 = arith.constant 512 : i32
      %mul3A_633 = arith.muli %add3A_631, %mul3A_632 : i32
      %dma_wait3A_634 = arith.constant 3 : i32
      %dma_wait3A_635 = tpu.memref_slice %arg21[%dma_wait3A_634] : memref<14x!tpu.dma_semaphore, #tpu.memory_space<semaphore_mem>> -> memref<1x!tpu.dma_semaphore, #tpu.memory_space<semaphore_mem>>
      %dma_wait3A_636 = tpu.memref_squeeze %dma_wait3A_635 : memref<1x!tpu.dma_semaphore, #tpu.memory_space<semaphore_mem>> -> memref<!tpu.dma_semaphore, #tpu.memory_space<semaphore_mem>>
      %dma_wait3A_637 = arith.constant 0 : i32
      %dma_wait3A_638 = tpu.memref_slice %arg4[%mul3A_633, %dma_wait3A_637] : memref<100000x1024xf32, #tpu.memory_space<any>> -> memref<512x1024xf32, #tpu.memory_space<any>>
      %dma_wait3A_639 = arith.constant 0 : i32
      %dma_wait3A_640 = arith.constant 0 : i32
      %dma_wait3A_641 = tpu.memref_slice %arg8[%dma_wait3A_639, %dma_wait3A_640] : memref<512x1024xf32, #tpu.memory_space<vmem>> -> memref<512x1024xf32, #tpu.memory_space<vmem>>
      tpu.wait_dma2 semaphore(%dma_wait3A_636 : memref<!tpu.dma_semaphore, #tpu.memory_space<semaphore_mem>>) src(%dma_wait3A_641 : memref<512x1024xf32, #tpu.memory_space<vmem>>) dst(%dma_wait3A_638 : memref<512x1024xf32, #tpu.memory_space<any>>)
      %mul3A_642 = arith.constant 14 : i32
      %mul3A_643 = arith.muli %arg0, %mul3A_642 : i32
      %add3A_644 = arith.constant 4 : i32
      %add3A_645 = arith.addi %mul3A_643, %add3A_644 : i32
      %mul3A_646 = arith.constant 512 : i32
      %mul3A_647 = arith.muli %add3A_645, %mul3A_646 : i32
      %dma_wait3A_648 = arith.constant 4 : i32
      %dma_wait3A_649 = tpu.memref_slice %arg21[%dma_wait3A_648] : memref<14x!tpu.dma_semaphore, #tpu.memory_space<semaphore_mem>> -> memref<1x!tpu.dma_semaphore, #tpu.memory_space<semaphore_mem>>
      %dma_wait3A_650 = tpu.memref_squeeze %dma_wait3A_649 : memref<1x!tpu.dma_semaphore, #tpu.memory_space<semaphore_mem>> -> memref<!tpu.dma_semaphore, #tpu.memory_space<semaphore_mem>>
      %dma_wait3A_651 = arith.constant 0 : i32
      %dma_wait3A_652 = tpu.memref_slice %arg4[%mul3A_647, %dma_wait3A_651] : memref<100000x1024xf32, #tpu.memory_space<any>> -> memref<512x1024xf32, #tpu.memory_space<any>>
      %dma_wait3A_653 = arith.constant 0 : i32
      %dma_wait3A_654 = arith.constant 0 : i32
      %dma_wait3A_655 = tpu.memref_slice %arg9[%dma_wait3A_653, %dma_wait3A_654] : memref<512x1024xf32, #tpu.memory_space<vmem>> -> memref<512x1024xf32, #tpu.memory_space<vmem>>
      tpu.wait_dma2 semaphore(%dma_wait3A_650 : memref<!tpu.dma_semaphore, #tpu.memory_space<semaphore_mem>>) src(%dma_wait3A_655 : memref<512x1024xf32, #tpu.memory_space<vmem>>) dst(%dma_wait3A_652 : memref<512x1024xf32, #tpu.memory_space<any>>)
      %mul3A_656 = arith.constant 14 : i32
      %mul3A_657 = arith.muli %arg0, %mul3A_656 : i32
      %add3A_658 = arith.constant 5 : i32
      %add3A_659 = arith.addi %mul3A_657, %add3A_658 : i32
      %mul3A_660 = arith.constant 512 : i32
      %mul3A_661 = arith.muli %add3A_659, %mul3A_660 : i32
      %dma_wait3A_662 = arith.constant 5 : i32
      %dma_wait3A_663 = tpu.memref_slice %arg21[%dma_wait3A_662] : memref<14x!tpu.dma_semaphore, #tpu.memory_space<semaphore_mem>> -> memref<1x!tpu.dma_semaphore, #tpu.memory_space<semaphore_mem>>
      %dma_wait3A_664 = tpu.memref_squeeze %dma_wait3A_663 : memref<1x!tpu.dma_semaphore, #tpu.memory_space<semaphore_mem>> -> memref<!tpu.dma_semaphore, #tpu.memory_space<semaphore_mem>>
      %dma_wait3A_665 = arith.constant 0 : i32
      %dma_wait3A_666 = tpu.memref_slice %arg4[%mul3A_661, %dma_wait3A_665] : memref<100000x1024xf32, #tpu.memory_space<any>> -> memref<512x1024xf32, #tpu.memory_space<any>>
      %dma_wait3A_667 = arith.constant 0 : i32
      %dma_wait3A_668 = arith.constant 0 : i32
      %dma_wait3A_669 = tpu.memref_slice %arg10[%dma_wait3A_667, %dma_wait3A_668] : memref<512x1024xf32, #tpu.memory_space<vmem>> -> memref<512x1024xf32, #tpu.memory_space<vmem>>
      tpu.wait_dma2 semaphore(%dma_wait3A_664 : memref<!tpu.dma_semaphore, #tpu.memory_space<semaphore_mem>>) src(%dma_wait3A_669 : memref<512x1024xf32, #tpu.memory_space<vmem>>) dst(%dma_wait3A_666 : memref<512x1024xf32, #tpu.memory_space<any>>)
      %mul3A_670 = arith.constant 14 : i32
      %mul3A_671 = arith.muli %arg0, %mul3A_670 : i32
      %add3A_672 = arith.constant 6 : i32
      %add3A_673 = arith.addi %mul3A_671, %add3A_672 : i32
      %mul3A_674 = arith.constant 512 : i32
      %mul3A_675 = arith.muli %add3A_673, %mul3A_674 : i32
      %dma_wait3A_676 = arith.constant 6 : i32
      %dma_wait3A_677 = tpu.memref_slice %arg21[%dma_wait3A_676] : memref<14x!tpu.dma_semaphore, #tpu.memory_space<semaphore_mem>> -> memref<1x!tpu.dma_semaphore, #tpu.memory_space<semaphore_mem>>
      %dma_wait3A_678 = tpu.memref_squeeze %dma_wait3A_677 : memref<1x!tpu.dma_semaphore, #tpu.memory_space<semaphore_mem>> -> memref<!tpu.dma_semaphore, #tpu.memory_space<semaphore_mem>>
      %dma_wait3A_679 = arith.constant 0 : i32
      %dma_wait3A_680 = tpu.memref_slice %arg4[%mul3A_675, %dma_wait3A_679] : memref<100000x1024xf32, #tpu.memory_space<any>> -> memref<512x1024xf32, #tpu.memory_space<any>>
      %dma_wait3A_681 = arith.constant 0 : i32
      %dma_wait3A_682 = arith.constant 0 : i32
      %dma_wait3A_683 = tpu.memref_slice %arg11[%dma_wait3A_681, %dma_wait3A_682] : memref<512x1024xf32, #tpu.memory_space<vmem>> -> memref<512x1024xf32, #tpu.memory_space<vmem>>
      tpu.wait_dma2 semaphore(%dma_wait3A_678 : memref<!tpu.dma_semaphore, #tpu.memory_space<semaphore_mem>>) src(%dma_wait3A_683 : memref<512x1024xf32, #tpu.memory_space<vmem>>) dst(%dma_wait3A_680 : memref<512x1024xf32, #tpu.memory_space<any>>)
      %mul3A_684 = arith.constant 14 : i32
      %mul3A_685 = arith.muli %arg0, %mul3A_684 : i32
      %add3A_686 = arith.constant 7 : i32
      %add3A_687 = arith.addi %mul3A_685, %add3A_686 : i32
      %mul3A_688 = arith.constant 512 : i32
      %mul3A_689 = arith.muli %add3A_687, %mul3A_688 : i32
      %dma_wait3A_690 = arith.constant 7 : i32
      %dma_wait3A_691 = tpu.memref_slice %arg21[%dma_wait3A_690] : memref<14x!tpu.dma_semaphore, #tpu.memory_space<semaphore_mem>> -> memref<1x!tpu.dma_semaphore, #tpu.memory_space<semaphore_mem>>
      %dma_wait3A_692 = tpu.memref_squeeze %dma_wait3A_691 : memref<1x!tpu.dma_semaphore, #tpu.memory_space<semaphore_mem>> -> memref<!tpu.dma_semaphore, #tpu.memory_space<semaphore_mem>>
      %dma_wait3A_693 = arith.constant 0 : i32
      %dma_wait3A_694 = tpu.memref_slice %arg4[%mul3A_689, %dma_wait3A_693] : memref<100000x1024xf32, #tpu.memory_space<any>> -> memref<512x1024xf32, #tpu.memory_space<any>>
      %dma_wait3A_695 = arith.constant 0 : i32
      %dma_wait3A_696 = arith.constant 0 : i32
      %dma_wait3A_697 = tpu.memref_slice %arg12[%dma_wait3A_695, %dma_wait3A_696] : memref<512x1024xf32, #tpu.memory_space<vmem>> -> memref<512x1024xf32, #tpu.memory_space<vmem>>
      tpu.wait_dma2 semaphore(%dma_wait3A_692 : memref<!tpu.dma_semaphore, #tpu.memory_space<semaphore_mem>>) src(%dma_wait3A_697 : memref<512x1024xf32, #tpu.memory_space<vmem>>) dst(%dma_wait3A_694 : memref<512x1024xf32, #tpu.memory_space<any>>)
      %mul3A_698 = arith.constant 14 : i32
      %mul3A_699 = arith.muli %arg0, %mul3A_698 : i32
      %add3A_700 = arith.constant 8 : i32
      %add3A_701 = arith.addi %mul3A_699, %add3A_700 : i32
      %mul3A_702 = arith.constant 512 : i32
      %mul3A_703 = arith.muli %add3A_701, %mul3A_702 : i32
      %dma_wait3A_704 = arith.constant 8 : i32
      %dma_wait3A_705 = tpu.memref_slice %arg21[%dma_wait3A_704] : memref<14x!tpu.dma_semaphore, #tpu.memory_space<semaphore_mem>> -> memref<1x!tpu.dma_semaphore, #tpu.memory_space<semaphore_mem>>
      %dma_wait3A_706 = tpu.memref_squeeze %dma_wait3A_705 : memref<1x!tpu.dma_semaphore, #tpu.memory_space<semaphore_mem>> -> memref<!tpu.dma_semaphore, #tpu.memory_space<semaphore_mem>>
      %dma_wait3A_707 = arith.constant 0 : i32
      %dma_wait3A_708 = tpu.memref_slice %arg4[%mul3A_703, %dma_wait3A_707] : memref<100000x1024xf32, #tpu.memory_space<any>> -> memref<512x1024xf32, #tpu.memory_space<any>>
      %dma_wait3A_709 = arith.constant 0 : i32
      %dma_wait3A_710 = arith.constant 0 : i32
      %dma_wait3A_711 = tpu.memref_slice %arg13[%dma_wait3A_709, %dma_wait3A_710] : memref<512x1024xf32, #tpu.memory_space<vmem>> -> memref<512x1024xf32, #tpu.memory_space<vmem>>
      tpu.wait_dma2 semaphore(%dma_wait3A_706 : memref<!tpu.dma_semaphore, #tpu.memory_space<semaphore_mem>>) src(%dma_wait3A_711 : memref<512x1024xf32, #tpu.memory_space<vmem>>) dst(%dma_wait3A_708 : memref<512x1024xf32, #tpu.memory_space<any>>)
      %mul3A_712 = arith.constant 14 : i32
      %mul3A_713 = arith.muli %arg0, %mul3A_712 : i32
      %add3A_714 = arith.constant 9 : i32
      %add3A_715 = arith.addi %mul3A_713, %add3A_714 : i32
      %mul3A_716 = arith.constant 512 : i32
      %mul3A_717 = arith.muli %add3A_715, %mul3A_716 : i32
      %dma_wait3A_718 = arith.constant 9 : i32
      %dma_wait3A_719 = tpu.memref_slice %arg21[%dma_wait3A_718] : memref<14x!tpu.dma_semaphore, #tpu.memory_space<semaphore_mem>> -> memref<1x!tpu.dma_semaphore, #tpu.memory_space<semaphore_mem>>
      %dma_wait3A_720 = tpu.memref_squeeze %dma_wait3A_719 : memref<1x!tpu.dma_semaphore, #tpu.memory_space<semaphore_mem>> -> memref<!tpu.dma_semaphore, #tpu.memory_space<semaphore_mem>>
      %dma_wait3A_721 = arith.constant 0 : i32
      %dma_wait3A_722 = tpu.memref_slice %arg4[%mul3A_717, %dma_wait3A_721] : memref<100000x1024xf32, #tpu.memory_space<any>> -> memref<512x1024xf32, #tpu.memory_space<any>>
      %dma_wait3A_723 = arith.constant 0 : i32
      %dma_wait3A_724 = arith.constant 0 : i32
      %dma_wait3A_725 = tpu.memref_slice %arg14[%dma_wait3A_723, %dma_wait3A_724] : memref<512x1024xf32, #tpu.memory_space<vmem>> -> memref<512x1024xf32, #tpu.memory_space<vmem>>
      tpu.wait_dma2 semaphore(%dma_wait3A_720 : memref<!tpu.dma_semaphore, #tpu.memory_space<semaphore_mem>>) src(%dma_wait3A_725 : memref<512x1024xf32, #tpu.memory_space<vmem>>) dst(%dma_wait3A_722 : memref<512x1024xf32, #tpu.memory_space<any>>)
      %mul3A_726 = arith.constant 14 : i32
      %mul3A_727 = arith.muli %arg0, %mul3A_726 : i32
      %add3A_728 = arith.constant 10 : i32
      %add3A_729 = arith.addi %mul3A_727, %add3A_728 : i32
      %mul3A_730 = arith.constant 512 : i32
      %mul3A_731 = arith.muli %add3A_729, %mul3A_730 : i32
      %dma_wait3A_732 = arith.constant 10 : i32
      %dma_wait3A_733 = tpu.memref_slice %arg21[%dma_wait3A_732] : memref<14x!tpu.dma_semaphore, #tpu.memory_space<semaphore_mem>> -> memref<1x!tpu.dma_semaphore, #tpu.memory_space<semaphore_mem>>
      %dma_wait3A_734 = tpu.memref_squeeze %dma_wait3A_733 : memref<1x!tpu.dma_semaphore, #tpu.memory_space<semaphore_mem>> -> memref<!tpu.dma_semaphore, #tpu.memory_space<semaphore_mem>>
      %dma_wait3A_735 = arith.constant 0 : i32
      %dma_wait3A_736 = tpu.memref_slice %arg4[%mul3A_731, %dma_wait3A_735] : memref<100000x1024xf32, #tpu.memory_space<any>> -> memref<512x1024xf32, #tpu.memory_space<any>>
      %dma_wait3A_737 = arith.constant 0 : i32
      %dma_wait3A_738 = arith.constant 0 : i32
      %dma_wait3A_739 = tpu.memref_slice %arg15[%dma_wait3A_737, %dma_wait3A_738] : memref<512x1024xf32, #tpu.memory_space<vmem>> -> memref<512x1024xf32, #tpu.memory_space<vmem>>
      tpu.wait_dma2 semaphore(%dma_wait3A_734 : memref<!tpu.dma_semaphore, #tpu.memory_space<semaphore_mem>>) src(%dma_wait3A_739 : memref<512x1024xf32, #tpu.memory_space<vmem>>) dst(%dma_wait3A_736 : memref<512x1024xf32, #tpu.memory_space<any>>)
      %mul3A_740 = arith.constant 14 : i32
      %mul3A_741 = arith.muli %arg0, %mul3A_740 : i32
      %add3A_742 = arith.constant 11 : i32
      %add3A_743 = arith.addi %mul3A_741, %add3A_742 : i32
      %mul3A_744 = arith.constant 512 : i32
      %mul3A_745 = arith.muli %add3A_743, %mul3A_744 : i32
      %dma_wait3A_746 = arith.constant 11 : i32
      %dma_wait3A_747 = tpu.memref_slice %arg21[%dma_wait3A_746] : memref<14x!tpu.dma_semaphore, #tpu.memory_space<semaphore_mem>> -> memref<1x!tpu.dma_semaphore, #tpu.memory_space<semaphore_mem>>
      %dma_wait3A_748 = tpu.memref_squeeze %dma_wait3A_747 : memref<1x!tpu.dma_semaphore, #tpu.memory_space<semaphore_mem>> -> memref<!tpu.dma_semaphore, #tpu.memory_space<semaphore_mem>>
      %dma_wait3A_749 = arith.constant 0 : i32
      %dma_wait3A_750 = tpu.memref_slice %arg4[%mul3A_745, %dma_wait3A_749] : memref<100000x1024xf32, #tpu.memory_space<any>> -> memref<512x1024xf32, #tpu.memory_space<any>>
      %dma_wait3A_751 = arith.constant 0 : i32
      %dma_wait3A_752 = arith.constant 0 : i32
      %dma_wait3A_753 = tpu.memref_slice %arg16[%dma_wait3A_751, %dma_wait3A_752] : memref<512x1024xf32, #tpu.memory_space<vmem>> -> memref<512x1024xf32, #tpu.memory_space<vmem>>
      tpu.wait_dma2 semaphore(%dma_wait3A_748 : memref<!tpu.dma_semaphore, #tpu.memory_space<semaphore_mem>>) src(%dma_wait3A_753 : memref<512x1024xf32, #tpu.memory_space<vmem>>) dst(%dma_wait3A_750 : memref<512x1024xf32, #tpu.memory_space<any>>)
      %mul3A_754 = arith.constant 14 : i32
      %mul3A_755 = arith.muli %arg0, %mul3A_754 : i32
      %add3A_756 = arith.constant 12 : i32
      %add3A_757 = arith.addi %mul3A_755, %add3A_756 : i32
      %mul3A_758 = arith.constant 512 : i32
      %mul3A_759 = arith.muli %add3A_757, %mul3A_758 : i32
      %dma_wait3A_760 = arith.constant 12 : i32
      %dma_wait3A_761 = tpu.memref_slice %arg21[%dma_wait3A_760] : memref<14x!tpu.dma_semaphore, #tpu.memory_space<semaphore_mem>> -> memref<1x!tpu.dma_semaphore, #tpu.memory_space<semaphore_mem>>
      %dma_wait3A_762 = tpu.memref_squeeze %dma_wait3A_761 : memref<1x!tpu.dma_semaphore, #tpu.memory_space<semaphore_mem>> -> memref<!tpu.dma_semaphore, #tpu.memory_space<semaphore_mem>>
      %dma_wait3A_763 = arith.constant 0 : i32
      %dma_wait3A_764 = tpu.memref_slice %arg4[%mul3A_759, %dma_wait3A_763] : memref<100000x1024xf32, #tpu.memory_space<any>> -> memref<512x1024xf32, #tpu.memory_space<any>>
      %dma_wait3A_765 = arith.constant 0 : i32
      %dma_wait3A_766 = arith.constant 0 : i32
      %dma_wait3A_767 = tpu.memref_slice %arg17[%dma_wait3A_765, %dma_wait3A_766] : memref<512x1024xf32, #tpu.memory_space<vmem>> -> memref<512x1024xf32, #tpu.memory_space<vmem>>
      tpu.wait_dma2 semaphore(%dma_wait3A_762 : memref<!tpu.dma_semaphore, #tpu.memory_space<semaphore_mem>>) src(%dma_wait3A_767 : memref<512x1024xf32, #tpu.memory_space<vmem>>) dst(%dma_wait3A_764 : memref<512x1024xf32, #tpu.memory_space<any>>)
      %mul3A_768 = arith.constant 14 : i32
      %mul3A_769 = arith.muli %arg0, %mul3A_768 : i32
      %add3A_770 = arith.constant 13 : i32
      %add3A_771 = arith.addi %mul3A_769, %add3A_770 : i32
      %mul3A_772 = arith.constant 512 : i32
      %mul3A_773 = arith.muli %add3A_771, %mul3A_772 : i32
      %dma_wait3A_774 = arith.constant 13 : i32
      %dma_wait3A_775 = tpu.memref_slice %arg21[%dma_wait3A_774] : memref<14x!tpu.dma_semaphore, #tpu.memory_space<semaphore_mem>> -> memref<1x!tpu.dma_semaphore, #tpu.memory_space<semaphore_mem>>
      %dma_wait3A_776 = tpu.memref_squeeze %dma_wait3A_775 : memref<1x!tpu.dma_semaphore, #tpu.memory_space<semaphore_mem>> -> memref<!tpu.dma_semaphore, #tpu.memory_space<semaphore_mem>>
      %dma_wait3A_777 = arith.constant 0 : i32
      %dma_wait3A_778 = tpu.memref_slice %arg4[%mul3A_773, %dma_wait3A_777] : memref<100000x1024xf32, #tpu.memory_space<any>> -> memref<160x1024xf32, #tpu.memory_space<any>>
      %dma_wait3A_779 = arith.constant 0 : i32
      %dma_wait3A_780 = arith.constant 0 : i32
      %dma_wait3A_781 = tpu.memref_slice %arg18[%dma_wait3A_779, %dma_wait3A_780] : memref<512x1024xf32, #tpu.memory_space<vmem>> -> memref<160x1024xf32, #tpu.memory_space<vmem>>
      tpu.wait_dma2 semaphore(%dma_wait3A_776 : memref<!tpu.dma_semaphore, #tpu.memory_space<semaphore_mem>>) src(%dma_wait3A_781 : memref<160x1024xf32, #tpu.memory_space<vmem>>) dst(%dma_wait3A_778 : memref<160x1024xf32, #tpu.memory_space<any>>)
    } else {
    }
    return
  }
  func.func @transform_0(%arg0: i32) -> (i32, i32) {
    %c0_i32 = arith.constant 0 : i32
    %c0_i32_0 = arith.constant 0 : i32
    %c0_i32_1 = arith.constant 0 : i32
    return %c0_i32, %c0_i32_0 : i32, i32
  }
  func.func @transform_1(%arg0: i32) -> (i32, i32) {
    %c0_i32 = arith.constant 0 : i32
    %c0_i32_0 = arith.constant 0 : i32
    return %c0_i32, %arg0 : i32, i32
  }
  func.func @transform_2(%arg0: i32) -> (i32, i32) {
    %c0_i32 = arith.constant 0 : i32
    %c0_i32_0 = arith.constant 0 : i32
    return %c0_i32, %arg0 : i32, i32
  }
}

</mosaic_0001>

<sc_bundles>
// kernel: kernel.4.cloned.1.call-start
scs
__scs_entry_jumppad:
0x0: {  	(pc) =	sbr.rel $0x88, $3  }
0x1: {  	(tag) =	ssettag $0x0;
	lr =	simm.s32 $0x1  }
0x2: {  	[smem:$0x3F9D] =	sst lr;
	_ =	strace $0xD0000000  }
0x3: {  	_ = 	snop  }
0x4: {  	_ = 	snop  }
0x5: {  	_ = 	snop  }
0x6: {  	_ = 	snop  }
0x7: {  	_ = 	snop  }
__scs_overlays_trampoline_lowered:
0x8: {  	[smem:$0x3FAC] =	sst s0  }
0x9: {  	[smem:$0x3FAD] =	sst s1  }
0xa: {  	[smem:$0x3FAE] =	sst s2  }
0xb: {  	[smem:$0x3FAF] =	sst s3  }
0xc: {  	[smem:$0x3FB0] =	sst s4  }
0xd: {  	[smem:$0x3FB1] =	sst s5  }
0xe: {  	[smem:$0x3FB2] =	sst s6  }
0xf: {  	[smem:$0x3FB3] =	sst s7  }
0x10: {  	[smem:$0x3FB4] =	sst s8  }
0x11: {  	[smem:$0x3FB5] =	sst s9;
	s0 =	simm.s32 @!p0 $0x0  }
0x12: {  	s1 =	sld [smem:$0x3F9B];
	s0 =	simm.s32 @p0 $0x1  }
0x13: {  	[smem:$0x3FB6] =	sst s0;
	s0 =	simm.s32 @!p1 $0x0  }
0x14: {  	s2 =	sld [smem:$0x3F9A];
	s0 =	simm.s32 @p1 $0x1  }
0x15: {  	[smem:$0x3FB7] =	sst s0;
	s0 =	simm.s32 @!p2 $0x0  }
0x16: {  	s3 =	sld [smem:$0x3FDB];
	s0 =	simm.s32 @p2 $0x1  }
0x17: {  	s4 =	simm.s32 $0x1BF5;
	[smem:$0x3FB9] =	sst s0  }
0x18: {  	s0 =	sld [smem:$0x3F9C];
	_ =	swait.ge [sflag:s4], $0x0  }
0x19: {  	s7 =	sld [smem:$0x3F9D]  }
0x1a: {  	s8 =	sadd.s32 $0xFFFFE003, lr  }
0x1b: {  	s9 =	sadd.s32 $0xFFFFFEF7, lr;
	s5 =	simm.s32 $0xFFFFFFFF;
	p2 =	slt.u32 s8, $0xFFFFF086  }
0x1c: {  	p1 =	slt.u32 s9, $0xF7A;
	s5 =	simm.s32 @!p2 $0x0  }
0x1d: {  	s5 =	simm.s32 @p1 $0x1;
	p0 =	seq.s32 s7, s2  }
0x1e: {  	s7 =	smul.u32 @!p0 $0xF7A, s2;
	p2 =	seq.s32 @!p0 s5, $0x0  }
0x1f: {  	s9 =	smul.u32 $0xF7A, s1;
	s8 =	simm.s32 @!p0 $0x1BF5;
	p2 =	por !p2, p0  }
0x20: {  	[sflag:s8] =	ssyncset.s32 @!p0 $0xFFFFF086;
	s6 =	sadd.s32 @!p0 s3, s7;
	s7 =	simm.s32 @!p0 $0x108  }
0x21: {  	s3 =	sadd.s32 s3, s9;
	s6 =	sadd.s32 @!p0 $0x88, s6;
	s7 =	simm.s32 @p2 $0x1082  }
0x22: {  	[simem:s7], [sflag:s8] =	dma.local @!p0 [hbm:s6], $0xF7A  }
0x23: {  	s9 =	sor.u32 $0xD0000000, s2;
	s6 =	simm.s32 $0x108;
	_ =	swait.ge @!p0 [sflag:s8], $0x0  }
0x24: {  	s3 =	sadd.s32 $0x88, s3;
	s6 =	simm.s32 @!p1 $0x1082;
	[sflag:s4] =	ssyncset.s32 $0xFFFFF086  }
0x25: {  	[simem:s6], [sflag:s4] =	dma.local [hbm:s3], $0xF7A  }
0x26: {  	[smem:$0x3F9D] =	sst s1;
	(tag) =	ssettag s2;
	_ =	strace s9  }
0x27: {  	s1 =	sld [smem:$0x3FAD]  }
0x28: {  	s2 =	sld [smem:$0x3FAE]  }
0x29: {  	s4 =	sld [smem:$0x3FB0]  }
0x2a: {  	p0 =	seq.s32 s5, $0x0;
	s5 =	sld [smem:$0x3FB1]  }
0x2b: {  	s6 =	sld [smem:$0x3FB2]  }
0x2c: {  	s7 =	sld [smem:$0x3FB3]  }
0x2d: {  	s3 =	simm.s32 $0x108;
	s8 =	sld [smem:$0x3FB4]  }
0x2e: {  	s3 =	simm.s32 @!p0 $0x1082;
	s9 =	sld [smem:$0x3FB5]  }
0x2f: {  	lr =	sadd.s32 s0, s3;
	s0 =	sld [smem:$0x3FAC]  }
0x30: {  	s3 =	sld [smem:$0x3FAF]  }
0x31: {  	[smem:$0x3FB8] =	sst s10  }
0x32: {  	s10 =	sld [smem:$0x3FB6];
	_ =	sdelay $0x3  }
0x33: {  	p0 =	seq.s32 s10, $0x1;
	s10 =	sld [smem:$0x3FB8];
	_ =	sdelay $0x3  }
0x34: {  	[smem:$0x3FB8] =	sst s10  }
0x35: {  	s10 =	sld [smem:$0x3FB7];
	_ =	sdelay $0x3  }
0x36: {  	p1 =	seq.s32 s10, $0x1;
	s10 =	sld [smem:$0x3FB8];
	_ =	sdelay $0x3  }
0x37: {  	[smem:$0x3FB8] =	sst s10  }
0x38: {  	s10 =	sld [smem:$0x3FB9]  }
0x39: {  	_ = 	snop;
	(pc) =	sbr.ind lr, $3  }
0x3a: {  	_ = 	snop  }
0x3b: {  	_ = 	snop  }
0x3c: {  	p2 =	seq.s32 s10, $0x1;
	s10 =	sld [smem:$0x3FB8]  }
0x3d: {  	_ =	shalt  }
0x3e: {  	_ =	shalt  }
0x3f: {  	_ =	shalt  }
0x40: {  	_ =	shalt  }
0x41: {  	_ =	shalt  }
0x42: {  	_ =	shalt  }
0x43: {  	_ =	shalt  }
0x44: {  	_ =	shalt  }
0x45: {  	_ =	shalt  }
0x46: {  	_ =	shalt  }
0x47: {  	_ =	shalt  }
0x48: {  	_ =	shalt  }
0x49: {  	_ =	shalt  }
0x4a: {  	_ =	shalt  }
0x4b: {  	_ =	shalt  }
0x4c: {  	_ =	shalt  }
0x4d: {  	_ =	shalt  }
0x4e: {  	_ =	shalt  }
0x4f: {  	_ =	shalt  }
0x50: {  	_ =	shalt  }
0x51: {  	_ =	shalt  }
0x52: {  	_ =	shalt  }
0x53: {  	_ =	shalt  }
0x54: {  	_ =	shalt  }
0x55: {  	_ =	shalt  }
0x56: {  	_ =	shalt  }
0x57: {  	_ =	shalt  }
0x58: {  	_ =	shalt  }
0x59: {  	_ =	shalt  }
0x5a: {  	_ =	shalt  }
0x5b: {  	_ =	shalt  }
0x5c: {  	_ =	shalt  }
0x5d: {  	_ =	shalt  }
0x5e: {  	_ =	shalt  }
0x5f: {  	_ =	shalt  }
0x60: {  	_ =	shalt  }
0x61: {  	_ =	shalt  }
0x62: {  	_ =	shalt  }
0x63: {  	_ =	shalt  }
0x64: {  	_ =	shalt  }
0x65: {  	_ =	shalt  }
0x66: {  	_ =	shalt  }
0x67: {  	_ =	shalt  }
0x68: {  	_ =	shalt  }
0x69: {  	_ =	shalt  }
0x6a: {  	_ =	shalt  }
0x6b: {  	_ =	shalt  }
0x6c: {  	_ =	shalt  }
0x6d: {  	_ =	shalt  }
0x6e: {  	_ =	shalt  }
0x6f: {  	_ =	shalt  }
0x70: {  	_ =	shalt  }
0x71: {  	_ =	shalt  }
0x72: {  	_ =	shalt  }
0x73: {  	_ =	shalt  }
0x74: {  	_ =	shalt  }
0x75: {  	_ =	shalt  }
0x76: {  	_ =	shalt  }
0x77: {  	_ =	shalt  }
0x78: {  	_ =	shalt  }
0x79: {  	_ =	shalt  }
0x7a: {  	_ =	shalt  }
0x7b: {  	_ =	shalt  }
0x7c: {  	_ =	shalt  }
0x7d: {  	_ =	shalt  }
0x7e: {  	_ =	shalt  }
0x7f: {  	_ =	shalt  }
0x80: {  	_ =	shalt  }
0x81: {  	_ =	shalt  }
0x82: {  	_ =	shalt  }
0x83: {  	_ =	shalt  }
0x84: {  	_ =	shalt  }
0x85: {  	_ =	shalt  }
0x86: {  	_ =	shalt  }
0x87: {  	_ =	shalt  }
.Lfunc_end0:
.L_simem_size_0:
called_computation_lowered:
.L_overlay_start_0:
0x88: {  	s2 =	sld [smem:$0x3FD9]  }
0x89: {  	s3 =	sld [smem:$0x3FFE];
	_ =	sdelay $0x1  }
0x8a: {  	s1 =	srdreg.scid  }
0x8b: {  	s0 =	sand.u32 $0x1, s1  }
0x8c: {  	s17 =	sshll.u32 s0, $0xA;
	s2 =	sadd.s32 s3, s2  }
0x8d: {  	s2 =	sadd.s32 s2, s17  }
0x8e: {  	[smem:$0x3FC4] =	sst s2  }
0x8f: {  	_ = 	snop  }
0x90: {  	s2 =	sld [smem:$0x3FC9]  }
0x91: {  	s18 =	sld [smem:$0x3FD0];
	(tm) =	ssettm $0x1  }
0x92: {  	s4 =	sld [smem:$0x3FFB];
	_ =	sdelay $0x3  }
0x93: {  	_ =	strace s4  }
0x94: {  	s4 =	sld [smem:$0x3FFC];
	_ =	sdelay $0x3  }
0x95: {  	_ =	strace s4  }
0x96: {  	s4 =	sld [smem:$0x3FFD];
	_ =	sdelay $0x3  }
0x97: {  	_ =	strace s4  }
0x98: {  	_ =	strace $0x8FFFFFFF  }
0x99: {  	s19 =	sld [smem:$0x3FDB];
	_ =	sdelay $0x1  }
0x9a: {  	s5 =	simm.s32 $_scs_section_size  }
0x9b: {  	s6 =	simm.s32 $_size__tile_overlayer_lowered;
	s7 =	simm.s32 $_tile_overlayer_lowered  }
0x9c: {  	s22 =	simm.s32 $0x1BFF;
	s21 =	sshll.u32 s7, $0x1;
	s4 =	sadd.s32 s5, s19  }
0x9d: {  	s8 =	simm.s32 $0x0;
	s20 =	sshll.u32 s6, $0x1;
	s6 =	sadd.s32 s21, s4  }
0x9e: {  	[timem:s8], [sflag:s22] =	dma.local [hbm:s6], s20  }
0x9f: {  	_ =	swait.ge [sflag:s22], s20  }
0xa0: {  	s5 =	ssub.s32 $0x0, s20;
	[sflag:s22] =	ssyncset.done $0x0  }
0xa1: {  	[sflag:s22] =	ssyncadd.s32 s5;
	_ =	sdelay $0x1  }
0xa2: {  	s23 =	simm.s32 $0x1B8B  }
0xa3: {  	_ =	swait.ge [sflag:s23], $0x1  }
0xa4: {  	[sflag:s23] =	ssyncset.done $0x0  }
0xa5: {  	s25 =	simm.s32 $0x1B8E;
	s24 =	sld [smem:$0x3FFE];
	[sflag:s23] =	ssyncadd.s32 $0xFFFFFFFF  }
0xa6: {  	s26 =	simm.s32 $execute0_lowered;
	[smem:$0x3FD2] =	sst s25  }
0xa7: {  	s6 =	sshll.u32 s26, $0x1;
	_ =	strace $0x80000046;
	[dreg:$0x1] =	wrdreg $0xFFFFFFFF  }
0xa8: {  	s28 =	simm.s32 $_size_execute0_lowered;
	s4 =	sadd.s32 s4, s6;
	[dreg:$0x0] =	wrdreg $0x0  }
0xa9: {  	s6 =	sshll.u32 s28, $0x1;
	[dreg:$0x2] =	wrdreg s4  }
0xaa: {  	[dreg:$0x3] =	wrdreg s6  }
0xab: {  	[dreg:$0x4] =	wrdreg $0xC0  }
0xac: {  	_ =	task [dreg:s8], $0x5FFFF  }
0xad: {  	[dreg:$0x1] =	wrdreg $0xFFFFFFFF  }
0xae: {  	[dreg:$0x0] =	wrdreg $0x60  }
0xaf: {  	[dreg:$0x2] =	wrdreg s2  }
0xb0: {  	[dreg:$0x3] =	wrdreg s18  }
0xb1: {  	[dreg:$0x4] =	wrdreg s24  }
0xb2: {  	[dreg:$0x5] =	wrdreg $0x9  }
0xb3: {  	_ =	task.clear_ibuf [dreg:s8], $0x6FFFF;
	_ =	strace $0x90000046  }
0xb4: {  	s29 =	simm.s32 $0x9;
	_ =	strace $0x80000048  }
0xb5: {  	_ =	swait.ge [sflag:s29], $0x1  }
0xb6: {  	[sflag:s29] =	ssyncadd.s32 $0xFFFFFFFF  }
0xb7: {  	_ =	strace $0x90000048  }
0xb8: {  	_ =	sfence  }
0xb9: {  	s30 =	sld [smem:$0x0];
	_ =	sdelay $0x2  }
0xba: {  	s31 =	sshll.u32 s1, $0xD;
	s1 =	sshrl.u32 s1, $0x2  }
0xbb: {  	s3 =	sand.u32 $0x4000, s31;
	s1 =	sadd.s32 s1, s30  }
0xbc: {  	s0 =	sor.u32 s3, s0;
	s1 =	sshll.u32 s1, $0x11  }
0xbd: {  	s0 =	sor.u32 s1, s0  }
0xbe: {  	s0 =	sadd.s32 $0x8F2B, s0  }
0xbf: {  	[sflag:s0] =	ssyncadd.remote.s32 $0x1  }
0xc0: {  	_ =	sfence.sel $0xFFFF  }
0xc1: {  	[dreg:$0x0] =	wrdreg $0xFFFFFFFF;
	(pc) =	sbr.abs _section_cstart, $3  }
0xc2: {  	[dreg:$0x1] =	wrdreg $0xFFFFFFFF  }
0xc3: {  	_ =	task.clear_ibuf [dreg:s8], $0x2FFFF;
	_ =	strace $0x9FFFFFFF  }
0xc4: {  	(tm) =	ssettm $0x7FFFFFFF  }
0xc5: {  	_ =	shalt  }
tec
execute0_lowered:
.L_overlay_start_1:
0x0: {  	(tag) =	ssettag $0x1  }
0x1: {  	s2 =	rddreg [dreg:$0x0]  }
0x2: {  	s3 =	rddreg [dreg:$0x1]  }
0x3: {  	s5 =	rddreg [dreg:$0x2];
	s4 =	simm.s32 $0x0  }
0x4: {  	s0 =	srdreg.scid;
	s17 =	simm.s32 $0x40;
	[smem:$0x7FF] =	sst s4  }
0x5: {  	s18 =	simm.s32 $0x240;
	_ =	strace $0x80000047;
	[dreg:$0x6] =	wrdreg s17  }
0x6: {  	s1 =	stileid.u32;
	s19 =	simm.s32 $0x60;
	[dreg:$0x7] =	wrdreg s18  }
0x7: {  	s20 =	simm.s32 $0x260;
	s21 =	simm.s32 $0x80;
	[dreg:$0x8] =	wrdreg s19  }
0x8: {  	s22 =	simm.s32 $0x280;
	s0 =	sand.u32 $0x1, s0;
	[dreg:$0x9] =	wrdreg s20  }
0x9: {  	s6 =	sshll.u32 s1, $0x3;
	s7 =	sshll.u32 s0, $0x2;
	[dreg:$0xa] =	wrdreg s21  }
0xa: {  	s24 =	simm.s32 $0xA0;
	[dreg:$0xb] =	wrdreg s22;
	s6 =	sor.u32 s7, s6  }
0xb: {  	[dreg:$0xc] =	wrdreg s24;
	s5 =	sadd.s32 s6, s5;
	s2 =	sadd.s32 s2, s6  }
0xc: {  	[dreg:$0x4] =	wrdreg s2;
	s16 =	sadd.s32 $0xE00, s5  }
0xd: {  	[dreg:$0x5] =	wrdreg s16  }
0xe: {  	s2 =	simm.s32 $0x2;
	s23 =	rddreg [dreg:$0x4]  }
0xf: {  	[tilespmem:s4], [sflag:$0x2] =	stream.linear.gather [hbm4b:s23+s4], $0x20, $0x38;
	[tilespmem:$0x420] =	vst v63  }
0x10: {  	_ =	swait.ge [sflag:s2], $0x20  }
0x11: {  	[sflag:s2] =	ssyncset.done $0x0  }
0x12: {  	[sflag:s2] =	ssyncadd.s32 $0xFFFFFFE0  }
0x13: {  	v0 =	vld [tilespmem:$0x0]  }
0x14: {  	v1 =	vld [tilespmem:$0x10];
	_ =	sdelay $0x3  }
0x15: {  	[tilespmem:$0x20] =	vst v0  }
0x16: {  	v2 =	vadd.s32 $0x186A0, v0;
	[tilespmem:$0x30] =	vst v1  }
0x17: {  	v38 =	vadd.s32 $0x493E0, v0;
	[tilespmem:$0x40] =	vst v2  }
0x18: {  	v3 =	vadd.s32 $0x30D40, v0;
	[tilespmem:$0x80] =	vst v38  }
0x19: {  	v39 =	vadd.s32 $0x61A80, v0;
	[tilespmem:$0x60] =	vst v3  }
0x1a: {  	v40 =	vadd.s32 $0x7A120, v0;
	[tilespmem:$0xA0] =	vst v39  }
0x1b: {  	v41 =	vadd.s32 $0x927C0, v0;
	[tilespmem:$0xC0] =	vst v40  }
0x1c: {  	v42 =	vadd.s32 $0x10C8E0, v1;
	[tilespmem:$0xE0] =	vst v41  }
0x1d: {  	v43 =	vadd.s32 $0x186A0, v1;
	[tilespmem:$0x190] =	vst v42  }
0x1e: {  	v44 =	vadd.s32 $0x7A120, v1;
	[tilespmem:$0x50] =	vst v43  }
0x1f: {  	v45 =	vadd.s32 $0x16E360, v1;
	[tilespmem:$0xD0] =	vst v44  }
0x20: {  	v46 =	vadd.s32 $0xDBBA0, v0;
	[tilespmem:$0x210] =	vst v45  }
0x21: {  	v47 =	vadd.s32 $0x155CC0, v0;
	[tilespmem:$0x140] =	vst v46  }
0x22: {  	v48 =	vadd.s32 $0x124F80, v0;
	[tilespmem:$0x1E0] =	vst v47  }
0x23: {  	v49 =	vadd.s32 $0x13D620, v1;
	[tilespmem:$0x1A0] =	vst v48  }
0x24: {  	v50 =	vadd.s32 $0x30D40, v1;
	[tilespmem:$0x1D0] =	vst v49  }
0x25: {  	v51 =	vadd.s32 $0x16E360, v0;
	[tilespmem:$0x70] =	vst v50  }
0x26: {  	v52 =	vadd.s32 $0x13D620, v0;
	[tilespmem:$0x200] =	vst v51  }
0x27: {  	v53 =	vadd.s32 $0xC3500, v0;
	[tilespmem:$0x1C0] =	vst v52  }
0x28: {  	v54 =	vadd.s32 $0x927C0, v1;
	[tilespmem:$0x120] =	vst v53  }
0x29: {  	v55 =	vadd.s32 $0x155CC0, v1;
	[tilespmem:$0xF0] =	vst v54  }
0x2a: {  	v56 =	vadd.s32 $0xAAE60, v0;
	[tilespmem:$0x1F0] =	vst v55  }
0x2b: {  	v57 =	vadd.s32 $0x10C8E0, v0;
	[tilespmem:$0x100] =	vst v56  }
0x2c: {  	v0 =	vadd.s32 $0xF4240, v0;
	[tilespmem:$0x180] =	vst v57  }
0x2d: {  	v58 =	vadd.s32 $0x493E0, v1;
	[tilespmem:$0x160] =	vst v0  }
0x2e: {  	v59 =	vadd.s32 $0x124F80, v1;
	[tilespmem:$0x90] =	vst v58  }
0x2f: {  	v60 =	vadd.s32 $0x61A80, v1;
	[tilespmem:$0x1B0] =	vst v59  }
0x30: {  	v61 =	vadd.s32 $0xAAE60, v1;
	[tilespmem:$0xB0] =	vst v60  }
0x31: {  	v62 =	vadd.s32 $0xF4240, v1;
	[tilespmem:$0x110] =	vst v61  }
0x32: {  	s25 =	rddreg [dreg:$0xb];
	v63 =	vadd.s32 $0xDBBA0, v1;
	[tilespmem:$0x170] =	vst v62  }
0x33: {  	s8 =	rddreg [dreg:$0x9];
	v1 =	vadd.s32 $0xC3500, v1;
	[tilespmem:$0x150] =	vst v63  }
0x34: {  	s6 =	simm.s32 $0x220;
	s5 =	simm.s32 $0x20;
	s9 =	rddreg [dreg:$0x7];
	[tilespmem:$0x130] =	vst v1  }
0x35: {  	[tilespmem:s6], [sflag:$0x1] =	stream.indirect.gather [hbm4b:s3+s5], $0x1, s5, s5, $0xb8;
	[tilespmem:$0x420] =	vst v63  }
0x36: {  	s10 =	rddreg [dreg:$0x6]  }
0x37: {  	[tilespmem:s9], [sflag:$0x1] =	stream.indirect.gather [hbm4b:s3+s5], $0x1, s10, s5, $0xb8;
	[tilespmem:$0x420] =	vst v63  }
0x38: {  	s11 =	rddreg [dreg:$0x8]  }
0x39: {  	[tilespmem:s8], [sflag:$0x1] =	stream.indirect.gather [hbm4b:s3+s5], $0x1, s11, s5, $0xb8;
	[tilespmem:$0x420] =	vst v63  }
0x3a: {  	s26 =	rddreg [dreg:$0xa]  }
0x3b: {  	[tilespmem:s25], [sflag:$0x1] =	stream.indirect.gather [hbm4b:s3+s5], $0x1, s26, s5, $0xb8;
	[tilespmem:$0x420] =	vst v63  }
0x3c: {  	s4 =	simm.s32 $0x2A0;
	s1 =	rddreg [dreg:$0xc]  }
0x3d: {  	[tilespmem:s4], [sflag:$0x1] =	stream.indirect.gather [hbm4b:s3+s5], $0x1, s1, s5, $0xb8;
	[tilespmem:$0x420] =	vst v63  }
0x3e: {  	s7 =	simm.s32 $0xC0;
	s8 =	simm.s32 $0x2C0  }
0x3f: {  	[tilespmem:s8], [sflag:$0x1] =	stream.indirect.gather [hbm4b:s3+s5], $0x1, s7, s5, $0xb8;
	[tilespmem:$0x420] =	vst v63  }
0x40: {  	s9 =	simm.s32 $0xE0;
	s10 =	simm.s32 $0x2E0  }
0x41: {  	[tilespmem:s10], [sflag:$0x1] =	stream.indirect.gather [hbm4b:s3+s5], $0x1, s9, s5, $0xb8;
	[tilespmem:$0x420] =	vst v63  }
0x42: {  	s14 =	simm.s32 $0x100;
	s15 =	simm.s32 $0x300  }
0x43: {  	[tilespmem:s15], [sflag:$0x1] =	stream.indirect.gather [hbm4b:s3+s5], $0x1, s14, s5, $0xb8;
	[tilespmem:$0x420] =	vst v63  }
0x44: {  	s17 =	simm.s32 $0x320;
	s16 =	simm.s32 $0x120  }
0x45: {  	[tilespmem:s17], [sflag:$0x1] =	stream.indirect.gather [hbm4b:s3+s5], $0x1, s16, s5, $0xb8;
	[tilespmem:$0x420] =	vst v63  }
0x46: {  	s18 =	simm.s32 $0x140;
	s19 =	simm.s32 $0x340  }
0x47: {  	[tilespmem:s19], [sflag:$0x1] =	stream.indirect.gather [hbm4b:s3+s5], $0x1, s18, s5, $0xb8;
	[tilespmem:$0x420] =	vst v63  }
0x48: {  	s20 =	simm.s32 $0x160;
	s21 =	simm.s32 $0x360  }
0x49: {  	[tilespmem:s21], [sflag:$0x1] =	stream.indirect.gather [hbm4b:s3+s5], $0x1, s20, s5, $0xb8;
	[tilespmem:$0x420] =	vst v63  }
0x4a: {  	s22 =	simm.s32 $0x180;
	s23 =	simm.s32 $0x380  }
0x4b: {  	[tilespmem:s23], [sflag:$0x1] =	stream.indirect.gather [hbm4b:s3+s5], $0x1, s22, s5, $0xb8;
	[tilespmem:$0x420] =	vst v63  }
0x4c: {  	s24 =	simm.s32 $0x1A0;
	s25 =	simm.s32 $0x3A0  }
0x4d: {  	[tilespmem:s25], [sflag:$0x1] =	stream.indirect.gather [hbm4b:s3+s5], $0x1, s24, s5, $0xb8;
	[tilespmem:$0x420] =	vst v63  }
0x4e: {  	s28 =	simm.s32 $0x3C0;
	s26 =	simm.s32 $0x1C0  }
0x4f: {  	[tilespmem:s28], [sflag:$0x1] =	stream.indirect.gather [hbm4b:s3+s5], $0x1, s26, s5, $0xb8;
	[tilespmem:$0x420] =	vst v63  }
0x50: {  	s29 =	simm.s32 $0x1E0;
	s30 =	simm.s32 $0x3E0  }
0x51: {  	[tilespmem:s30], [sflag:$0x1] =	stream.indirect.gather [hbm4b:s3+s5], $0x1, s29, s5, $0xb8;
	[tilespmem:$0x420] =	vst v63  }
0x52: {  	s31 =	simm.s32 $0x200;
	s13 =	simm.s32 $0x1;
	s10 =	simm.s32 $0x400  }
0x53: {  	[tilespmem:s10], [sflag:$0x1] =	stream.indirect.gather [hbm4b:s3+s5], $0x1, s31, s5, $0xb8;
	[tilespmem:$0x420] =	vst v63  }
0x54: {  	_ =	swait.ge [sflag:s13], $0x20  }
0x55: {  	[sflag:s13] =	ssyncset.done $0x0  }
0x56: {  	[sflag:s13] =	ssyncadd.s32 $0xFFFFFFE0  }
0x57: {  	_ =	swait.ge [sflag:s13], $0x20  }
0x58: {  	[sflag:s13] =	ssyncset.done $0x0  }
0x59: {  	[sflag:s13] =	ssyncadd.s32 $0xFFFFFFE0  }
0x5a: {  	_ =	swait.ge [sflag:s13], $0x20  }
0x5b: {  	[sflag:s13] =	ssyncset.done $0x0  }
0x5c: {  	[sflag:s13] =	ssyncadd.s32 $0xFFFFFFE0  }
0x5d: {  	_ =	swait.ge [sflag:s13], $0x20  }
0x5e: {  	[sflag:s13] =	ssyncset.done $0x0  }
0x5f: {  	[sflag:s13] =	ssyncadd.s32 $0xFFFFFFE0  }
0x60: {  	s0 =	ssub.s32 $0x2, s0;
	_ =	swait.ge [sflag:s13], $0x20  }
0x61: {  	s11 =	sshrl.u32 s0, $0x1;
	[sflag:s13] =	ssyncset.done $0x0  }
0x62: {  	s0 =	ssub.s32 s0, s11;
	[sflag:s13] =	ssyncadd.s32 $0xFFFFFFE0  }
0x63: {  	s0 =	smax.u32 s0, $0x1;
	_ =	swait.ge [sflag:s13], $0x20  }
0x64: {  	p0 =	sne.s32 s0, $0x1;
	[sflag:s13] =	ssyncset.done $0x0  }
.Ltmp0:
0x65: {  	[sflag:s13] =	ssyncadd.s32 $0xFFFFFFE0;
	(pc) =	sbr.rel @!p0 .LBB2_2-.Ltmp0, $4  }
0x66: {  	_ =	swait.ge [sflag:s13], $0x20  }
0x67: {  	[sflag:s13] =	ssyncset.done $0x0  }
0x68: {  	[sflag:s13] =	ssyncadd.s32 $0xFFFFFFE0  }
0x69: {  	s12 =	simm.s32 $0x2E0;
	s0 =	sadd.s32 $0xFFFFFFFF, s0;
	_ =	swait.ge [sflag:s13], $0x20  }
.LBB2_1:
0x6a: {  	[sflag:s13] =	ssyncset.done $0x0  }
0x6b: {  	[sflag:s13] =	ssyncadd.s32 $0xFFFFFFE0  }
0x6c: {  	_ =	swait.ge [sflag:s13], $0x20  }
0x6d: {  	[sflag:s13] =	ssyncset.done $0x0  }
0x6e: {  	[sflag:s13] =	ssyncadd.s32 $0xFFFFFFE0  }
0x6f: {  	_ =	swait.ge [sflag:s13], $0x20  }
0x70: {  	[sflag:s13] =	ssyncset.done $0x0  }
0x71: {  	[sflag:s13] =	ssyncadd.s32 $0xFFFFFFE0  }
0x72: {  	_ =	swait.ge [sflag:s13], $0x20  }
0x73: {  	[sflag:s13] =	ssyncset.done $0x0  }
0x74: {  	[sflag:s13] =	ssyncadd.s32 $0xFFFFFFE0  }
0x75: {  	_ =	swait.ge [sflag:s13], $0x20  }
0x76: {  	[sflag:s13] =	ssyncset.done $0x0  }
0x77: {  	[sflag:s13] =	ssyncadd.s32 $0xFFFFFFE0  }
0x78: {  	_ =	swait.ge [sflag:s13], $0x20  }
0x79: {  	[sflag:s13] =	ssyncset.done $0x0  }
0x7a: {  	[sflag:s13] =	ssyncadd.s32 $0xFFFFFFE0  }
0x7b: {  	_ =	swait.ge [sflag:s13], $0x20  }
0x7c: {  	[sflag:s13] =	ssyncset.done $0x0  }
0x7d: {  	[sflag:s13] =	ssyncadd.s32 $0xFFFFFFE0  }
0x7e: {  	_ =	swait.ge [sflag:s13], $0x20  }
0x7f: {  	[sflag:s13] =	ssyncset.done $0x0  }
0x80: {  	[sflag:s13] =	ssyncadd.s32 $0xFFFFFFE0  }
0x81: {  	_ =	swait.ge [sflag:s13], $0x20  }
0x82: {  	[sflag:s13] =	ssyncset.done $0x0  }
0x83: {  	s1 =	rddreg [dreg:$0x5];
	[sflag:s13] =	ssyncadd.s32 $0xFFFFFFE0  }
0x84: {  	[hbm4b:s1+s5] =	stream.strided.scatter [tilespmem:s6], [sflag:$0x2], $0x200, s10, s5, $0x38;
	[tilespmem:$0x420] =	vst v63  }
0x85: {  	_ =	swait.ge [sflag:s2], $0x200  }
0x86: {  	[sflag:s2] =	ssyncset.done $0x0  }
0x87: {  	s4 =	simm.s32 $0x0;
	s7 =	rddreg [dreg:$0x4];
	[sflag:s2] =	ssyncadd.s32 $0xFFFFFE00  }
0x88: {  	[tilespmem:s4], [sflag:$0x2] =	stream.linear.gather [hbm4b:s7+s4], $0x20, $0x38;
	[tilespmem:$0x420] =	vst v63  }
0x89: {  	_ =	swait.ge [sflag:s2], $0x20  }
0x8a: {  	[sflag:s2] =	ssyncset.done $0x0  }
0x8b: {  	[sflag:s2] =	ssyncadd.s32 $0xFFFFFFE0  }
0x8c: {  	v0 =	vld [tilespmem:$0x0]  }
0x8d: {  	v1 =	vld [tilespmem:$0x10];
	_ =	sdelay $0x3  }
0x8e: {  	[tilespmem:$0x20] =	vst v0  }
0x8f: {  	v2 =	vadd.s32 $0x186A0, v0;
	[tilespmem:$0x30] =	vst v1  }
0x90: {  	v4 =	vadd.s32 $0x493E0, v0;
	[tilespmem:$0x40] =	vst v2  }
0x91: {  	v3 =	vadd.s32 $0x30D40, v0;
	[tilespmem:$0x80] =	vst v4  }
0x92: {  	v57 =	vadd.s32 $0x61A80, v0;
	[tilespmem:$0x60] =	vst v3  }
0x93: {  	v5 =	vadd.s32 $0x7A120, v0;
	[tilespmem:$0xA0] =	vst v57  }
0x94: {  	v6 =	vadd.s32 $0x927C0, v0;
	[tilespmem:$0xC0] =	vst v5  }
0x95: {  	v9 =	vadd.s32 $0x10C8E0, v1;
	[tilespmem:$0xE0] =	vst v6  }
0x96: {  	v7 =	vadd.s32 $0x186A0, v1;
	[tilespmem:$0x190] =	vst v9  }
0x97: {  	v10 =	vadd.s32 $0x7A120, v1;
	[tilespmem:$0x50] =	vst v7  }
0x98: {  	v8 =	vadd.s32 $0x30D40, v1;
	v58 =	vadd.s32 $0x493E0, v1;
	v13 =	vadd.s32 $0x16E360, v1;
	[tilespmem:$0xD0] =	vst v10  }
0x99: {  	v11 =	vadd.s32 $0x155CC0, v1;
	v59 =	vadd.s32 $0x61A80, v1;
	v18 =	vadd.s32 $0xDBBA0, v0;
	[tilespmem:$0x210] =	vst v13  }
0x9a: {  	v12 =	vadd.s32 $0x927C0, v1;
	v60 =	vadd.s32 $0xC3500, v1;
	v22 =	vadd.s32 $0x155CC0, v0;
	[tilespmem:$0x140] =	vst v18  }
0x9b: {  	v14 =	vadd.s32 $0xDBBA0, v1;
	v15 =	vadd.s32 $0xF4240, v1;
	v21 =	vadd.s32 $0x124F80, v0;
	[tilespmem:$0x1E0] =	vst v22  }
0x9c: {  	v61 =	vadd.s32 $0xAAE60, v1;
	v16 =	vadd.s32 $0x124F80, v1;
	v1 =	vadd.s32 $0x13D620, v1;
	[tilespmem:$0x1A0] =	vst v21  }
0x9d: {  	v62 =	vadd.s32 $0xAAE60, v0;
	v17 =	vadd.s32 $0xC3500, v0;
	v20 =	vadd.s32 $0x10C8E0, v0;
	[tilespmem:$0x1D0] =	vst v1  }
0x9e: {  	v19 =	vadd.s32 $0xF4240, v0;
	v63 =	vadd.s32 $0x13D620, v0;
	v0 =	vadd.s32 $0x16E360, v0;
	[tilespmem:$0x70] =	vst v8  }
0x9f: {  	[tilespmem:$0x200] =	vst v0  }
0xa0: {  	[tilespmem:$0x1C0] =	vst v63  }
0xa1: {  	[tilespmem:$0x120] =	vst v17  }
0xa2: {  	[tilespmem:$0xF0] =	vst v12  }
0xa3: {  	[tilespmem:$0x1F0] =	vst v11  }
0xa4: {  	[tilespmem:$0x100] =	vst v62  }
0xa5: {  	[tilespmem:$0x180] =	vst v20  }
0xa6: {  	[tilespmem:$0x160] =	vst v19  }
0xa7: {  	[tilespmem:$0x90] =	vst v58  }
0xa8: {  	[tilespmem:$0x1B0] =	vst v16  }
0xa9: {  	[tilespmem:$0xB0] =	vst v59  }
0xaa: {  	[tilespmem:$0x110] =	vst v61  }
0xab: {  	s1 =	rddreg [dreg:$0xb];
	[tilespmem:$0x170] =	vst v15  }
0xac: {  	s4 =	rddreg [dreg:$0x9];
	[tilespmem:$0x150] =	vst v14  }
0xad: {  	s7 =	rddreg [dreg:$0x7];
	[tilespmem:$0x130] =	vst v60  }
0xae: {  	[tilespmem:s6], [sflag:$0x1] =	stream.indirect.gather [hbm4b:s3+s5], $0x1, s5, s5, $0xb8;
	[tilespmem:$0x420] =	vst v63  }
0xaf: {  	s8 =	rddreg [dreg:$0x6]  }
0xb0: {  	[tilespmem:s7], [sflag:$0x1] =	stream.indirect.gather [hbm4b:s3+s5], $0x1, s8, s5, $0xb8;
	[tilespmem:$0x420] =	vst v63  }
0xb1: {  	s9 =	rddreg [dreg:$0x8]  }
0xb2: {  	[tilespmem:s4], [sflag:$0x1] =	stream.indirect.gather [hbm4b:s3+s5], $0x1, s9, s5, $0xb8;
	[tilespmem:$0x420] =	vst v63  }
0xb3: {  	s11 =	rddreg [dreg:$0xa]  }
0xb4: {  	[tilespmem:s1], [sflag:$0x1] =	stream.indirect.gather [hbm4b:s3+s5], $0x1, s11, s5, $0xb8;
	[tilespmem:$0x420] =	vst v63  }
0xb5: {  	s8 =	rddreg [dreg:$0xc];
	s4 =	simm.s32 $0x2A0  }
0xb6: {  	[tilespmem:s4], [sflag:$0x1] =	stream.indirect.gather [hbm4b:s3+s5], $0x1, s8, s5, $0xb8;
	[tilespmem:$0x420] =	vst v63  }
0xb7: {  	s9 =	simm.s32 $0x2C0;
	s8 =	simm.s32 $0xC0  }
0xb8: {  	[tilespmem:s9], [sflag:$0x1] =	stream.indirect.gather [hbm4b:s3+s5], $0x1, s8, s5, $0xb8;
	[tilespmem:$0x420] =	vst v63  }
0xb9: {  	s11 =	simm.s32 $0xE0  }
0xba: {  	[tilespmem:s12], [sflag:$0x1] =	stream.indirect.gather [hbm4b:s3+s5], $0x1, s11, s5, $0xb8;
	[tilespmem:$0x420] =	vst v63  }
0xbb: {  	_ = 	snop  }
0xbc: {  	[tilespmem:s15], [sflag:$0x1] =	stream.indirect.gather [hbm4b:s3+s5], $0x1, s14, s5, $0xb8;
	[tilespmem:$0x420] =	vst v63  }
0xbd: {  	_ = 	snop  }
0xbe: {  	[tilespmem:s17], [sflag:$0x1] =	stream.indirect.gather [hbm4b:s3+s5], $0x1, s16, s5, $0xb8;
	[tilespmem:$0x420] =	vst v63  }
0xbf: {  	_ = 	snop  }
0xc0: {  	[tilespmem:s19], [sflag:$0x1] =	stream.indirect.gather [hbm4b:s3+s5], $0x1, s18, s5, $0xb8;
	[tilespmem:$0x420] =	vst v63  }
0xc1: {  	_ = 	snop  }
0xc2: {  	[tilespmem:s21], [sflag:$0x1] =	stream.indirect.gather [hbm4b:s3+s5], $0x1, s20, s5, $0xb8;
	[tilespmem:$0x420] =	vst v63  }
0xc3: {  	_ = 	snop  }
0xc4: {  	[tilespmem:s23], [sflag:$0x1] =	stream.indirect.gather [hbm4b:s3+s5], $0x1, s22, s5, $0xb8;
	[tilespmem:$0x420] =	vst v63  }
0xc5: {  	_ = 	snop  }
0xc6: {  	[tilespmem:s25], [sflag:$0x1] =	stream.indirect.gather [hbm4b:s3+s5], $0x1, s24, s5, $0xb8;
	[tilespmem:$0x420] =	vst v63  }
0xc7: {  	_ = 	snop  }
0xc8: {  	[tilespmem:s28], [sflag:$0x1] =	stream.indirect.gather [hbm4b:s3+s5], $0x1, s26, s5, $0xb8;
	[tilespmem:$0x420] =	vst v63  }
0xc9: {  	_ = 	snop  }
0xca: {  	[tilespmem:s30], [sflag:$0x1] =	stream.indirect.gather [hbm4b:s3+s5], $0x1, s29, s5, $0xb8;
	[tilespmem:$0x420] =	vst v63  }
0xcb: {  	_ = 	snop  }
0xcc: {  	[tilespmem:s10], [sflag:$0x1] =	stream.indirect.gather [hbm4b:s3+s5], $0x1, s31, s5, $0xb8;
	[tilespmem:$0x420] =	vst v63  }
0xcd: {  	_ =	swait.ge [sflag:s13], $0x20  }
0xce: {  	[sflag:s13] =	ssyncset.done $0x0  }
0xcf: {  	[sflag:s13] =	ssyncadd.s32 $0xFFFFFFE0  }
0xd0: {  	_ =	swait.ge [sflag:s13], $0x20  }
0xd1: {  	[sflag:s13] =	ssyncset.done $0x0  }
0xd2: {  	[sflag:s13] =	ssyncadd.s32 $0xFFFFFFE0  }
0xd3: {  	_ =	swait.ge [sflag:s13], $0x20  }
0xd4: {  	[sflag:s13] =	ssyncset.done $0x0  }
0xd5: {  	[sflag:s13] =	ssyncadd.s32 $0xFFFFFFE0  }
0xd6: {  	_ =	swait.ge [sflag:s13], $0x20  }
0xd7: {  	[sflag:s13] =	ssyncset.done $0x0  }
0xd8: {  	[sflag:s13] =	ssyncadd.s32 $0xFFFFFFE0  }
0xd9: {  	_ =	swait.ge [sflag:s13], $0x20  }
0xda: {  	[sflag:s13] =	ssyncset.done $0x0  }
0xdb: {  	[sflag:s13] =	ssyncadd.s32 $0xFFFFFFE0  }
0xdc: {  	_ =	swait.ge [sflag:s13], $0x20  }
0xdd: {  	p0 =	sne.s32 s0, $0x1;
	[sflag:s13] =	ssyncset.done $0x0  }
.Ltmp1:
0xde: {  	[sflag:s13] =	ssyncadd.s32 $0xFFFFFFE0;
	(pc) =	sbr.rel @p0 .LBB2_1-.Ltmp1, $4  }
0xdf: {  	_ =	swait.ge [sflag:s13], $0x20  }
0xe0: {  	[sflag:s13] =	ssyncset.done $0x0  }
0xe1: {  	[sflag:s13] =	ssyncadd.s32 $0xFFFFFFE0  }
0xe2: {  	s0 =	sadd.s32 $0xFFFFFFFF, s0;
	_ =	swait.ge [sflag:s13], $0x20  }
.LBB2_2:
0xe3: {  	[sflag:s13] =	ssyncset.done $0x0  }
0xe4: {  	[sflag:s13] =	ssyncadd.s32 $0xFFFFFFE0  }
0xe5: {  	_ =	swait.ge [sflag:s13], $0x20  }
0xe6: {  	[sflag:s13] =	ssyncset.done $0x0  }
0xe7: {  	[sflag:s13] =	ssyncadd.s32 $0xFFFFFFE0  }
0xe8: {  	_ =	swait.ge [sflag:s13], $0x20  }
0xe9: {  	[sflag:s13] =	ssyncset.done $0x0  }
0xea: {  	[sflag:s13] =	ssyncadd.s32 $0xFFFFFFE0  }
0xeb: {  	_ =	swait.ge [sflag:s13], $0x20  }
0xec: {  	[sflag:s13] =	ssyncset.done $0x0  }
0xed: {  	[sflag:s13] =	ssyncadd.s32 $0xFFFFFFE0  }
0xee: {  	_ =	swait.ge [sflag:s13], $0x20  }
0xef: {  	[sflag:s13] =	ssyncset.done $0x0  }
0xf0: {  	[sflag:s13] =	ssyncadd.s32 $0xFFFFFFE0  }
0xf1: {  	_ =	swait.ge [sflag:s13], $0x20  }
0xf2: {  	[sflag:s13] =	ssyncset.done $0x0  }
0xf3: {  	[sflag:s13] =	ssyncadd.s32 $0xFFFFFFE0  }
0xf4: {  	_ =	swait.ge [sflag:s13], $0x20  }
0xf5: {  	[sflag:s13] =	ssyncset.done $0x0  }
0xf6: {  	[sflag:s13] =	ssyncadd.s32 $0xFFFFFFE0  }
0xf7: {  	_ =	swait.ge [sflag:s13], $0x20  }
0xf8: {  	[sflag:s13] =	ssyncset.done $0x0  }
0xf9: {  	[sflag:s13] =	ssyncadd.s32 $0xFFFFFFE0  }
0xfa: {  	_ =	swait.ge [sflag:s13], $0x20  }
0xfb: {  	[sflag:s13] =	ssyncset.done $0x0  }
0xfc: {  	s0 =	rddreg [dreg:$0x5];
	[sflag:s13] =	ssyncadd.s32 $0xFFFFFFE0  }
0xfd: {  	[hbm4b:s0+s5] =	stream.strided.scatter [tilespmem:s6], [sflag:$0x2], $0x200, s10, s5, $0x38;
	[tilespmem:$0x420] =	vst v63  }
0xfe: {  	_ =	swait.ge [sflag:s2], $0x200  }
0xff: {  	[sflag:s2] =	ssyncset.done $0x0  }
0x100: {  	[sflag:s2] =	ssyncadd.s32 $0xFFFFFE00  }
0x101: {  	_ =	sfence.sel $0x180000  }
0x102: {  	[bflag:$0x0] =	sbarrier.arrive $0xFFFF  }
0x103: {  	_ =	strace $0x90000047  }
0x104: {  	s31 =	stileid.u32;
	[bflag:$0x2] =	sbarrier.arrive $0xFFFF  }
0x105: {  	p0 =	sne.s32 s31, $0x0;
	s0 =	rddreg [dreg:$0x3]  }
0x106: {  	s0 =	sadd.s32 @!p0 $0x100000, s0  }
0x107: {  	[sflag:s0] =	ssyncadd.tile.s32 @!p0 $0x1;
	_ =	shalt  }
.Lfunc_end2:
_tile_overlayer_lowered:
.L_overlay_start_2:
0x108: {  	(tag) =	ssettag $0x2  }
0x109: {  	s0 =	rddreg [dreg:$0x0];
	s2 =	stileid.u32  }
0x10a: {  	s1 =	rddreg [dreg:$0x1];
	p0 =	sne.s32 s2, $0x0  }
0x10b: {  	s3 =	rddreg [dreg:$0x2];
	[bflag:$0x3] =	sbarrier.arrive $0xFFFF;
	s2 =	simm.s32 @!p0 $0x1C02  }
0x10c: {  	[timem:s3], [sflag:s2] =	dma.local @!p0 [hbm:s0], s1  }
0x10d: {  	s0 =	simm.s32 @!p0 $0x2  }
0x10e: {  	_ =	swait.ge @!p0 [sflag:s0], s1  }
0x10f: {  	s1 =	ssub.s32 @!p0 $0x0, s1;
	[sflag:s0] =	ssyncset.done @!p0 $0x0  }
0x110: {  	[sflag:s0] =	ssyncadd.s32 @!p0 s1  }
0x111: {  	[bflag:$0x3] =	sbarrier.arrive $0xFFFF  }
0x112: {  	_ =	shalt  }

</sc_bundles>
